<compile_context>
chip_gen: v7x
topology: tpu7x:2x2x1
jax: 0.10.2.dev20260603
libtpu: 0.0.44.dev20260713+nightly
codegen_flags: <defaults>
</compile_context>

<pallas_src>
import functools

import jax
import jax.numpy as jnp
from jax import lax
from jax.experimental import pallas as pl
from jax.experimental.pallas import tpu as pltpu
from jax.experimental.pallas import tpu_sc as plsc

N = 10000
E = 320000
D = 128
H = 128

NC = 2
NS = 16
NW = NC * NS
CH = 128
EPAD = 2560 * CH
ROWS = EPAD // CH
RPW = ROWS // NW
RPS = ROWS // NS
NPAD = 10240
NPS = NPAD // NS
NHALF = NPAD // NC
TRASH = 128
ACC = NHALF + TRASH
APS = ACC // NS
DW = 128

_MESH = plsc.VectorSubcoreMesh(
    core_axis_name="c", subcore_axis_name="s", num_cores=NC, num_subcores=NS)



@functools.partial(
    pl.kernel,
    out_type=jax.ShapeDtypeStruct((NC, NHALF, DW), jnp.float32),
    mesh=_MESH,
    scratch_types=[
        pltpu.VMEM((RPS, CH), jnp.int32),
        pltpu.VMEM((CH, DW), jnp.float32),
        pltpu.VMEM_SHARED((ACC, DW), jnp.float32),
    ],
)
def _deg_sc(dstl_hbm, ones_hbm, zeros_hbm, out_hbm, idx_v, ones_v, acc):
    cid = lax.axis_index("c")
    sid = lax.axis_index("s")
    pltpu.sync_copy(zeros_hbm, acc.at[pl.ds(sid * APS, APS)])
    pltpu.sync_copy(ones_hbm, ones_v)
    pltpu.sync_copy(dstl_hbm.at[cid, pl.ds(sid * RPS, RPS)], idx_v)
    plsc.subcore_barrier()

    def body(c, carry):
        pltpu.sync_copy(ones_v, acc.at[idx_v.at[c]], add=True)
        return carry

    lax.fori_loop(0, RPS, body, 0)
    plsc.subcore_barrier()
    pltpu.sync_copy(acc.at[pl.ds(sid * (NHALF // NS), NHALF // NS)],
                    out_hbm.at[cid, pl.ds(sid * (NHALF // NS), NHALF // NS)])


@functools.partial(
    pl.kernel,
    out_type=jax.ShapeDtypeStruct((NC, NHALF, D), jnp.float32),
    mesh=_MESH,
    scratch_types=[
        pltpu.VMEM((RPS, CH), jnp.int32),
        pltpu.VMEM((RPS, CH), jnp.int32),
        pltpu.VMEM((2, CH, D), jnp.float32),
        pltpu.VMEM_SHARED((ACC, D), jnp.float32),
        pltpu.SemaphoreType.DMA,
        pltpu.SemaphoreType.DMA,
    ],
)
def _agg_sc(g_hbm, src_hbm, dstl_hbm, zeros_hbm, out_hbm,
            src_v, dst_v, buf, acc, g0, g1):
    cid = lax.axis_index("c")
    sid = lax.axis_index("s")
    gsem = (g0, g1)
    pltpu.sync_copy(zeros_hbm, acc.at[pl.ds(sid * APS, APS)])
    pltpu.sync_copy(src_hbm.at[pl.ds(sid * RPS, RPS)], src_v)
    pltpu.sync_copy(dstl_hbm.at[cid, pl.ds(sid * RPS, RPS)], dst_v)
    plsc.subcore_barrier()

    pltpu.async_copy(g_hbm.at[src_v.at[0]], buf.at[0], gsem[0])

    def body(i, carry):
        c0 = 2 * i
        c1 = c0 + 1
        pltpu.async_copy(g_hbm.at[src_v.at[c1]], buf.at[1], gsem[1])
        pltpu.make_async_copy(g_hbm.at[src_v.at[c0]], buf.at[0], gsem[0]).wait()
        pltpu.sync_copy(buf.at[0], acc.at[dst_v.at[c0]], add=True)

        @pl.when(c0 + 2 < RPS)
        def _():
            pltpu.async_copy(g_hbm.at[src_v.at[c0 + 2]], buf.at[0], gsem[0])

        pltpu.make_async_copy(g_hbm.at[src_v.at[c1]], buf.at[1], gsem[1]).wait()
        pltpu.sync_copy(buf.at[1], acc.at[dst_v.at[c1]], add=True)
        return carry

    lax.fori_loop(0, RPS // 2, body, 0)
    plsc.subcore_barrier()
    pltpu.sync_copy(acc.at[pl.ds(sid * (NHALF // NS), NHALF // NS)],
                    out_hbm.at[cid, pl.ds(sid * (NHALF // NS), NHALF // NS)])



BN = 1000


def _dinv_of(dp_ref):
    return lax.rsqrt(dp_ref[:, 0] + 1.0)


def _dstl_body(dst_ref, out_ref):
    d = dst_ref[...]
    for c in range(NC):
        base = c * NHALF
        inr = jnp.logical_and(d >= base, d < base + NHALF)
        out_ref[c] = jnp.where(inr, d - base, NHALF + (d & (TRASH - 1)))


def _dstl(dst):
    return pl.pallas_call(
        _dstl_body,
        in_specs=[pl.BlockSpec((ROWS, CH), lambda: (0, 0))],
        out_specs=pl.BlockSpec((NC, ROWS, CH), lambda: (0, 0, 0)),
        out_shape=jax.ShapeDtypeStruct((NC, ROWS, CH), jnp.int32),
    )(dst)


def _mm1_body(x_ref, w_ref, dp_ref, g_ref):
    dinv = _dinv_of(dp_ref)
    h = jnp.dot(x_ref[...], w_ref[...], preferred_element_type=jnp.float32)
    g_ref[...] = h * dinv[:, None]


def _mm2_body(s_ref, g_ref, dp_ref, b_ref, w_ref, out_ref):
    dinv = _dinv_of(dp_ref)
    s = s_ref[...] + g_ref[...]
    h1 = jnp.maximum(s * dinv[:, None] + b_ref[...], 0.0)
    h2 = jnp.dot(h1, w_ref[...], preferred_element_type=jnp.float32)
    out_ref[...] = h2 * dinv[:, None]


def _fin_body(s_ref, g_ref, dp_ref, b_ref, out_ref):
    dinv = _dinv_of(dp_ref)
    out_ref[...] = (s_ref[...] + g_ref[...]) * dinv[:, None] + b_ref[...]


def _mm1(x, w1, degp):
    return pl.pallas_call(
        _mm1_body,
        grid=(N // BN,),
        in_specs=[
            pl.BlockSpec((BN, D), lambda i: (i, 0)),
            pl.BlockSpec((D, H), lambda i: (0, 0)),
            pl.BlockSpec((BN, DW), lambda i: (i, 0)),
        ],
        out_specs=pl.BlockSpec((BN, H), lambda i: (i, 0)),
        out_shape=jax.ShapeDtypeStruct((N, H), jnp.float32),
    )(x, w1, degp)


def _mm2(s1, g1, degp, b1, w2):
    return pl.pallas_call(
        _mm2_body,
        grid=(N // BN,),
        in_specs=[
            pl.BlockSpec((BN, H), lambda i: (i, 0)),
            pl.BlockSpec((BN, H), lambda i: (i, 0)),
            pl.BlockSpec((BN, DW), lambda i: (i, 0)),
            pl.BlockSpec((1, H), lambda i: (0, 0)),
            pl.BlockSpec((H, H), lambda i: (0, 0)),
        ],
        out_specs=pl.BlockSpec((BN, H), lambda i: (i, 0)),
        out_shape=jax.ShapeDtypeStruct((N, H), jnp.float32),
    )(s1, g1, degp, b1, w2)


def _fin(s2, g2, degp, b2):
    return pl.pallas_call(
        _fin_body,
        grid=(N // BN,),
        in_specs=[
            pl.BlockSpec((BN, H), lambda i: (i, 0)),
            pl.BlockSpec((BN, H), lambda i: (i, 0)),
            pl.BlockSpec((BN, DW), lambda i: (i, 0)),
            pl.BlockSpec((1, H), lambda i: (0, 0)),
        ],
        out_specs=pl.BlockSpec((BN, H), lambda i: (i, 0)),
        out_shape=jax.ShapeDtypeStruct((N, H), jnp.float32),
    )(s2, g2, degp, b2)



def kernel(x, edge_index, W1, b1, W2, b2):
    ei = edge_index.astype(jnp.int32)
    pad = EPAD - E
    src = jnp.concatenate([ei[0], jnp.zeros((pad,), jnp.int32)])
    dst = jnp.concatenate([ei[1], jnp.full((pad,), N, jnp.int32)])
    src = src.reshape(ROWS, CH)
    dst = dst.reshape(ROWS, CH)
    ones_w = jnp.ones((CH, DW), jnp.float32)
    zeros_w = jnp.zeros((APS, DW), jnp.float32)
    zeros_rows = jnp.zeros((APS, D), jnp.float32)

    dstl = _dstl(dst)
    degp = _deg_sc(dstl, ones_w, zeros_w).reshape(NPAD, DW)[:N]
    g1 = _mm1(x, W1, degp)
    s1 = _agg_sc(g1, src, dstl, zeros_rows).reshape(NPAD, D)[:N]
    g2 = _mm2(s1, g1, degp, b1.reshape(1, H), W2)
    s2 = _agg_sc(g2, src, dstl, zeros_rows).reshape(NPAD, D)[:N]
    return _fin(s2, g2, degp, b2.reshape(1, H))

# --- scband reference (transcript-rebuilt; emitter-appended) ---
"""Pipeline reference for scband-hierarchical-cluster-model-23759759081514 (READ-ONLY COPY).

The authoritative reference and input builder live on the scoring server;
editing this copy changes nothing except your own understanding.
"""

import jax, jax.numpy as jnp
import numpy as np

N = 10000
E = 320000
D = 128
H = 128


def setup_inputs(seed: int = 0) -> dict:
    key = jax.random.key(seed)
    k1, k2, k3, k4 = jax.random.split(key, 4)
    x = jax.random.normal(k1, (N, D), dtype=jnp.float32)
    edge_index = jax.random.randint(k2, (2, E), 0, N).astype(jnp.int64)
    # GCN layer parameters (num_layers=2): in->hidden, hidden->hidden
    W1 = jax.random.normal(k3, (D, H), dtype=jnp.float32) * (1.0 / np.sqrt(D))
    b1 = jnp.zeros((H,), dtype=jnp.float32)
    W2 = jax.random.normal(k4, (H, H), dtype=jnp.float32) * (1.0 / np.sqrt(H))
    b2 = jnp.zeros((H,), dtype=jnp.float32)
    return {"x": x, "edge_index": edge_index, "W1": W1, "b1": b1, "W2": W2, "b2": b2}


def _gcn_layer(h, W, b, src, dst, norm, n_nodes):
    h = h @ W
    msg = h[src] * norm[:, None]          # gather + scale
    out = jnp.zeros((n_nodes, h.shape[1]), h.dtype).at[dst].add(msg)  # scatter-add
    return out + b


def reference(x, edge_index, W1, b1, W2, b2):
    # HierarchicalClusterModel.forward with gnn_type='gcn':
    # node_embeddings, _ = self.gnn(x, edge_index, edge_attr); return node_embeddings
    # Canonical GCN (symmetric normalization with self-loops), dropout disabled (eval mode).
    n_nodes = x.shape[0]
    loop = jnp.arange(n_nodes, dtype=edge_index.dtype)
    src = jnp.concatenate([edge_index[0], loop])
    dst = jnp.concatenate([edge_index[1], loop])
    deg = jnp.zeros((n_nodes,), jnp.float32).at[dst].add(1.0)
    dinv = jnp.where(deg > 0, deg ** -0.5, 0.0)
    norm = dinv[src] * dinv[dst]
    h = _gcn_layer(x, W1, b1, src, dst, norm, n_nodes)
    h = jax.nn.relu(h)
    h = _gcn_layer(h, W2, b2, src, dst, norm, n_nodes)
    return h

if __name__ == "__main__":
    import jax
    _d = setup_inputs()
    print(jax.jit(kernel)(*tuple(_d.values())))

</pallas_src>

<mosaic_0001>
#map = affine_map<(d0, d1) -> (0, 0, 0)>
#map1 = affine_map<(d0, d1) -> (0, 0)>
module attributes {stable_mosaic.version = 14 : i64} {
  func.func @_deg_sc(%arg0: i32, %arg1: i32, %arg2: memref<2x2560x128xi32, #tpu.memory_space<hbm>>, %arg3: memref<128x128xf32, #tpu.memory_space<hbm>>, %arg4: memref<328x128xf32, #tpu.memory_space<hbm>>, %arg5: memref<2x5120x128xf32, #tpu.memory_space<hbm>>, %arg6: memref<160x128xi32, #tpu.memory_space<vmem>>, %arg7: memref<128x128xf32, #tpu.memory_space<vmem>>, %arg8: memref<5248x128xf32, #tpu.memory_space<vmem_shared>>) attributes {dimension_semantics = [#tpu.dimension_semantics<core_parallel>, #tpu.dimension_semantics<subcore_parallel>], iteration_bounds = array<i64: 2, 16>, scalar_prefetch = 0 : i64, scratch_operands = 3 : i64, tpu.core_type = #tpu.core_type<sc_vector_subcore>, window_params = [{transform_indices = #map}, {transform_indices = #map1}, {transform_indices = #map1}, {transform_indices = #map}]} {
    %mul3A = arith.constant 328 : i32
    %mul3A_0 = arith.muli %arg1, %mul3A : i32
    "tpu.region"() ({
      %run_scoped3A = tpu.sem_alloc : memref<!tpu.dma_semaphore, #tpu.memory_space<semaphore_mem>>
      %dma_start3A = arith.constant 0 : i32
      %dma_start3A_13 = tpu.memref_slice %arg8[%mul3A_0, %dma_start3A] : memref<5248x128xf32, #tpu.memory_space<vmem_shared>> -> memref<328x128xf32, #tpu.memory_space<vmem_shared>>
      tpu.enqueue_dma source(%arg4 : memref<328x128xf32, #tpu.memory_space<hbm>>) target(%dma_start3A_13 : memref<328x128xf32, #tpu.memory_space<vmem_shared>>) target_semaphore(%run_scoped3A : memref<!tpu.dma_semaphore, #tpu.memory_space<semaphore_mem>>)
      %dma_wait3A = arith.constant 0 : i32
      %dma_wait3A_14 = tpu.memref_slice %arg8[%mul3A_0, %dma_wait3A] : memref<5248x128xf32, #tpu.memory_space<vmem_shared>> -> memref<328x128xf32, #tpu.memory_space<vmem_shared>>
      tpu.wait_dma2 semaphore(%run_scoped3A : memref<!tpu.dma_semaphore, #tpu.memory_space<semaphore_mem>>) src(%arg4 : memref<328x128xf32, #tpu.memory_space<hbm>>) dst(%dma_wait3A_14 : memref<328x128xf32, #tpu.memory_space<vmem_shared>>)
      tpu.yield
    }) : () -> ()
    "tpu.region"() ({
      %run_scoped3A = tpu.sem_alloc : memref<!tpu.dma_semaphore, #tpu.memory_space<semaphore_mem>>
      tpu.enqueue_dma source(%arg3 : memref<128x128xf32, #tpu.memory_space<hbm>>) target(%arg7 : memref<128x128xf32, #tpu.memory_space<vmem>>) target_semaphore(%run_scoped3A : memref<!tpu.dma_semaphore, #tpu.memory_space<semaphore_mem>>)
      tpu.wait_dma2 semaphore(%run_scoped3A : memref<!tpu.dma_semaphore, #tpu.memory_space<semaphore_mem>>) src(%arg3 : memref<128x128xf32, #tpu.memory_space<hbm>>) dst(%arg7 : memref<128x128xf32, #tpu.memory_space<vmem>>)
      tpu.yield
    }) : () -> ()
    %mul3A_1 = arith.constant 160 : i32
    %mul3A_2 = arith.muli %arg1, %mul3A_1 : i32
    "tpu.region"() ({
      %run_scoped3A = tpu.sem_alloc : memref<!tpu.dma_semaphore, #tpu.memory_space<semaphore_mem>>
      %dma_start3A = arith.constant 0 : i32
      %dma_start3A_13 = tpu.memref_slice %arg2[%arg0, %mul3A_2, %dma_start3A] : memref<2x2560x128xi32, #tpu.memory_space<hbm>> -> memref<1x160x128xi32, #tpu.memory_space<hbm>>
      %dma_start3A_14 = tpu.memref_squeeze %dma_start3A_13 : memref<1x160x128xi32, #tpu.memory_space<hbm>> -> memref<160x128xi32, #tpu.memory_space<hbm>>
      %dma_start3A_15 = arith.constant 0 : i32
      %dma_start3A_16 = tpu.memref_slice %arg2[%arg0, %mul3A_2, %dma_start3A_15] : memref<2x2560x128xi32, #tpu.memory_space<hbm>> -> memref<1x160x128xi32, #tpu.memory_space<hbm>>
      %dma_start3A_17 = tpu.memref_squeeze %dma_start3A_16 : memref<1x160x128xi32, #tpu.memory_space<hbm>> -> memref<160x128xi32, #tpu.memory_space<hbm>>
      tpu.enqueue_dma source(%dma_start3A_17 : memref<160x128xi32, #tpu.memory_space<hbm>>) target(%arg6 : memref<160x128xi32, #tpu.memory_space<vmem>>) target_semaphore(%run_scoped3A : memref<!tpu.dma_semaphore, #tpu.memory_space<semaphore_mem>>)
      %dma_wait3A = arith.constant 0 : i32
      %dma_wait3A_18 = tpu.memref_slice %arg2[%arg0, %mul3A_2, %dma_wait3A] : memref<2x2560x128xi32, #tpu.memory_space<hbm>> -> memref<1x160x128xi32, #tpu.memory_space<hbm>>
      %dma_wait3A_19 = tpu.memref_squeeze %dma_wait3A_18 : memref<1x160x128xi32, #tpu.memory_space<hbm>> -> memref<160x128xi32, #tpu.memory_space<hbm>>
      %dma_wait3A_20 = arith.constant 0 : i32
      %dma_wait3A_21 = tpu.memref_slice %arg2[%arg0, %mul3A_2, %dma_wait3A_20] : memref<2x2560x128xi32, #tpu.memory_space<hbm>> -> memref<1x160x128xi32, #tpu.memory_space<hbm>>
      %dma_wait3A_22 = tpu.memref_squeeze %dma_wait3A_21 : memref<1x160x128xi32, #tpu.memory_space<hbm>> -> memref<160x128xi32, #tpu.memory_space<hbm>>
      tpu.wait_dma2 semaphore(%run_scoped3A : memref<!tpu.dma_semaphore, #tpu.memory_space<semaphore_mem>>) src(%dma_wait3A_22 : memref<160x128xi32, #tpu.memory_space<hbm>>) dst(%arg6 : memref<160x128xi32, #tpu.memory_space<vmem>>)
      tpu.yield
    }) : () -> ()
    %barrier3A = arith.constant 0 : index
    tpu.barrier barrier_id(%barrier3A)
    %scan3A = arith.constant 0 : i32
    %scan3A_3 = arith.constant 0 : i32
    %scan3A_4 = arith.constant 160 : i32
    %scan3A_5 = arith.addi %scan3A_3, %scan3A_4 : i32
    %scan3A_6 = arith.constant 1 : i32
    scf.for %scan3A_13 = %scan3A_3 to %scan3A_5 step %scan3A_6  : i32 {
      "tpu.region"() ({
        %run_scoped3A = tpu.sem_alloc : memref<!tpu.dma_semaphore, #tpu.memory_space<semaphore_mem>>
        %dma_start3A = arith.constant 0 : i32
        %dma_start3A_14 = tpu.memref_slice %arg6[%scan3A_13, %dma_start3A] : memref<160x128xi32, #tpu.memory_space<vmem>> -> memref<1x128xi32, #tpu.memory_space<vmem>>
        %dma_start3A_15 = tpu.memref_squeeze %dma_start3A_14 : memref<1x128xi32, #tpu.memory_space<vmem>> -> memref<128xi32, #tpu.memory_space<vmem>>
        %dma_start3A_16 = arith.constant 0 : i32
        %dma_start3A_17 = arith.constant 0 : i32
        %dma_start3A_18 = tpu.memref_slice %arg8[%dma_start3A_16, %dma_start3A_17] : memref<5248x128xf32, #tpu.memory_space<vmem_shared>> -> memref<5248x128xf32, #tpu.memory_space<vmem_shared>>
        tpu.enqueue_indirect_dma source(%arg7 : memref<128x128xf32, #tpu.memory_space<vmem>>) target(%dma_start3A_18 : memref<5248x128xf32, #tpu.memory_space<vmem_shared>>) offsets(%dma_start3A_15 : memref<128xi32, #tpu.memory_space<vmem>>) semaphore(%run_scoped3A : memref<!tpu.dma_semaphore, #tpu.memory_space<semaphore_mem>>) {add = true}
        %dma_wait3A = arith.constant 0 : i32
        %dma_wait3A_19 = tpu.memref_slice %arg6[%scan3A_13, %dma_wait3A] : memref<160x128xi32, #tpu.memory_space<vmem>> -> memref<1x128xi32, #tpu.memory_space<vmem>>
        %dma_wait3A_20 = tpu.memref_squeeze %dma_wait3A_19 : memref<1x128xi32, #tpu.memory_space<vmem>> -> memref<128xi32, #tpu.memory_space<vmem>>
        %dma_wait3A_21 = arith.constant 0 : i32
        %dma_wait3A_22 = arith.constant 0 : i32
        %dma_wait3A_23 = tpu.memref_slice %arg8[%dma_wait3A_21, %dma_wait3A_22] : memref<5248x128xf32, #tpu.memory_space<vmem_shared>> -> memref<5248x128xf32, #tpu.memory_space<vmem_shared>>
        tpu.wait_indirect_dma semaphore(%run_scoped3A : memref<!tpu.dma_semaphore, #tpu.memory_space<semaphore_mem>>) src(%arg7 : memref<128x128xf32, #tpu.memory_space<vmem>>) dst(%dma_wait3A_23 : memref<5248x128xf32, #tpu.memory_space<vmem_shared>>)
        tpu.yield
      }) : () -> ()
    }
    %scan3A_7 = arith.constant 160 : i32
    %barrier3A_8 = arith.constant 0 : index
    tpu.barrier barrier_id(%barrier3A_8)
    %mul3A_9 = arith.constant 320 : i32
    %mul3A_10 = arith.muli %arg1, %mul3A_9 : i32
    %mul3A_11 = arith.constant 320 : i32
    %mul3A_12 = arith.muli %arg1, %mul3A_11 : i32
    "tpu.region"() ({
      %run_scoped3A = tpu.sem_alloc : memref<!tpu.dma_semaphore, #tpu.memory_space<semaphore_mem>>
      %dma_start3A = arith.constant 0 : i32
      %dma_start3A_13 = tpu.memref_slice %arg5[%arg0, %mul3A_12, %dma_start3A] : memref<2x5120x128xf32, #tpu.memory_space<hbm>> -> memref<1x320x128xf32, #tpu.memory_space<hbm>>
      %dma_start3A_14 = tpu.memref_squeeze %dma_start3A_13 : memref<1x320x128xf32, #tpu.memory_space<hbm>> -> memref<320x128xf32, #tpu.memory_space<hbm>>
      %dma_start3A_15 = arith.constant 0 : i32
      %dma_start3A_16 = tpu.memref_slice %arg8[%mul3A_10, %dma_start3A_15] : memref<5248x128xf32, #tpu.memory_space<vmem_shared>> -> memref<320x128xf32, #tpu.memory_space<vmem_shared>>
      tpu.enqueue_dma source(%dma_start3A_16 : memref<320x128xf32, #tpu.memory_space<vmem_shared>>) target(%dma_start3A_14 : memref<320x128xf32, #tpu.memory_space<hbm>>) target_semaphore(%run_scoped3A : memref<!tpu.dma_semaphore, #tpu.memory_space<semaphore_mem>>)
      %dma_wait3A = arith.constant 0 : i32
      %dma_wait3A_17 = tpu.memref_slice %arg5[%arg0, %mul3A_12, %dma_wait3A] : memref<2x5120x128xf32, #tpu.memory_space<hbm>> -> memref<1x320x128xf32, #tpu.memory_space<hbm>>
      %dma_wait3A_18 = tpu.memref_squeeze %dma_wait3A_17 : memref<1x320x128xf32, #tpu.memory_space<hbm>> -> memref<320x128xf32, #tpu.memory_space<hbm>>
      %dma_wait3A_19 = arith.constant 0 : i32
      %dma_wait3A_20 = tpu.memref_slice %arg8[%mul3A_10, %dma_wait3A_19] : memref<5248x128xf32, #tpu.memory_space<vmem_shared>> -> memref<320x128xf32, #tpu.memory_space<vmem_shared>>
      tpu.wait_dma2 semaphore(%run_scoped3A : memref<!tpu.dma_semaphore, #tpu.memory_space<semaphore_mem>>) src(%dma_wait3A_20 : memref<320x128xf32, #tpu.memory_space<vmem_shared>>) dst(%dma_wait3A_18 : memref<320x128xf32, #tpu.memory_space<hbm>>)
      tpu.yield
    }) : () -> ()
    return
  }
}

#map = affine_map<(d0, d1) -> (0, 0)>
#map1 = affine_map<(d0, d1) -> (0, 0, 0)>
module attributes {stable_mosaic.version = 14 : i64} {
  func.func @_agg_sc(%arg0: i32, %arg1: i32, %arg2: memref<10000x128xf32, #tpu.memory_space<hbm>>, %arg3: memref<2560x128xi32, #tpu.memory_space<hbm>>, %arg4: memref<2x2560x128xi32, #tpu.memory_space<hbm>>, %arg5: memref<328x128xf32, #tpu.memory_space<hbm>>, %arg6: memref<2x5120x128xf32, #tpu.memory_space<hbm>>, %arg7: memref<160x128xi32, #tpu.memory_space<vmem>>, %arg8: memref<160x128xi32, #tpu.memory_space<vmem>>, %arg9: memref<2x128x128xf32, #tpu.memory_space<vmem>>, %arg10: memref<5248x128xf32, #tpu.memory_space<vmem_shared>>, %arg11: memref<!tpu.dma_semaphore, #tpu.memory_space<semaphore_mem>>, %arg12: memref<!tpu.dma_semaphore, #tpu.memory_space<semaphore_mem>>) attributes {dimension_semantics = [#tpu.dimension_semantics<core_parallel>, #tpu.dimension_semantics<subcore_parallel>], iteration_bounds = array<i64: 2, 16>, scalar_prefetch = 0 : i64, scratch_operands = 6 : i64, tpu.core_type = #tpu.core_type<sc_vector_subcore>, window_params = [{transform_indices = #map}, {transform_indices = #map}, {transform_indices = #map1}, {transform_indices = #map}, {transform_indices = #map1}]} {
    %mul3A = arith.constant 328 : i32
    %mul3A_0 = arith.muli %arg1, %mul3A : i32
    "tpu.region"() ({
      %run_scoped3A = tpu.sem_alloc : memref<!tpu.dma_semaphore, #tpu.memory_space<semaphore_mem>>
      %dma_start3A_26 = arith.constant 0 : i32
      %dma_start3A_27 = tpu.memref_slice %arg10[%mul3A_0, %dma_start3A_26] : memref<5248x128xf32, #tpu.memory_space<vmem_shared>> -> memref<328x128xf32, #tpu.memory_space<vmem_shared>>
      tpu.enqueue_dma source(%arg5 : memref<328x128xf32, #tpu.memory_space<hbm>>) target(%dma_start3A_27 : memref<328x128xf32, #tpu.memory_space<vmem_shared>>) target_semaphore(%run_scoped3A : memref<!tpu.dma_semaphore, #tpu.memory_space<semaphore_mem>>)
      %dma_wait3A = arith.constant 0 : i32
      %dma_wait3A_28 = tpu.memref_slice %arg10[%mul3A_0, %dma_wait3A] : memref<5248x128xf32, #tpu.memory_space<vmem_shared>> -> memref<328x128xf32, #tpu.memory_space<vmem_shared>>
      tpu.wait_dma2 semaphore(%run_scoped3A : memref<!tpu.dma_semaphore, #tpu.memory_space<semaphore_mem>>) src(%arg5 : memref<328x128xf32, #tpu.memory_space<hbm>>) dst(%dma_wait3A_28 : memref<328x128xf32, #tpu.memory_space<vmem_shared>>)
      tpu.yield
    }) : () -> ()
    %mul3A_1 = arith.constant 160 : i32
    %mul3A_2 = arith.muli %arg1, %mul3A_1 : i32
    "tpu.region"() ({
      %run_scoped3A = tpu.sem_alloc : memref<!tpu.dma_semaphore, #tpu.memory_space<semaphore_mem>>
      %dma_start3A_26 = arith.constant 0 : i32
      %dma_start3A_27 = tpu.memref_slice %arg3[%mul3A_2, %dma_start3A_26] : memref<2560x128xi32, #tpu.memory_space<hbm>> -> memref<160x128xi32, #tpu.memory_space<hbm>>
      %dma_start3A_28 = arith.constant 0 : i32
      %dma_start3A_29 = tpu.memref_slice %arg3[%mul3A_2, %dma_start3A_28] : memref<2560x128xi32, #tpu.memory_space<hbm>> -> memref<160x128xi32, #tpu.memory_space<hbm>>
      tpu.enqueue_dma source(%dma_start3A_29 : memref<160x128xi32, #tpu.memory_space<hbm>>) target(%arg7 : memref<160x128xi32, #tpu.memory_space<vmem>>) target_semaphore(%run_scoped3A : memref<!tpu.dma_semaphore, #tpu.memory_space<semaphore_mem>>)
      %dma_wait3A = arith.constant 0 : i32
      %dma_wait3A_30 = tpu.memref_slice %arg3[%mul3A_2, %dma_wait3A] : memref<2560x128xi32, #tpu.memory_space<hbm>> -> memref<160x128xi32, #tpu.memory_space<hbm>>
      %dma_wait3A_31 = arith.constant 0 : i32
      %dma_wait3A_32 = tpu.memref_slice %arg3[%mul3A_2, %dma_wait3A_31] : memref<2560x128xi32, #tpu.memory_space<hbm>> -> memref<160x128xi32, #tpu.memory_space<hbm>>
      tpu.wait_dma2 semaphore(%run_scoped3A : memref<!tpu.dma_semaphore, #tpu.memory_space<semaphore_mem>>) src(%dma_wait3A_32 : memref<160x128xi32, #tpu.memory_space<hbm>>) dst(%arg7 : memref<160x128xi32, #tpu.memory_space<vmem>>)
      tpu.yield
    }) : () -> ()
    %mul3A_3 = arith.constant 160 : i32
    %mul3A_4 = arith.muli %arg1, %mul3A_3 : i32
    "tpu.region"() ({
      %run_scoped3A = tpu.sem_alloc : memref<!tpu.dma_semaphore, #tpu.memory_space<semaphore_mem>>
      %dma_start3A_26 = arith.constant 0 : i32
      %dma_start3A_27 = tpu.memref_slice %arg4[%arg0, %mul3A_4, %dma_start3A_26] : memref<2x2560x128xi32, #tpu.memory_space<hbm>> -> memref<1x160x128xi32, #tpu.memory_space<hbm>>
      %dma_start3A_28 = tpu.memref_squeeze %dma_start3A_27 : memref<1x160x128xi32, #tpu.memory_space<hbm>> -> memref<160x128xi32, #tpu.memory_space<hbm>>
      %dma_start3A_29 = arith.constant 0 : i32
      %dma_start3A_30 = tpu.memref_slice %arg4[%arg0, %mul3A_4, %dma_start3A_29] : memref<2x2560x128xi32, #tpu.memory_space<hbm>> -> memref<1x160x128xi32, #tpu.memory_space<hbm>>
      %dma_start3A_31 = tpu.memref_squeeze %dma_start3A_30 : memref<1x160x128xi32, #tpu.memory_space<hbm>> -> memref<160x128xi32, #tpu.memory_space<hbm>>
      tpu.enqueue_dma source(%dma_start3A_31 : memref<160x128xi32, #tpu.memory_space<hbm>>) target(%arg8 : memref<160x128xi32, #tpu.memory_space<vmem>>) target_semaphore(%run_scoped3A : memref<!tpu.dma_semaphore, #tpu.memory_space<semaphore_mem>>)
      %dma_wait3A = arith.constant 0 : i32
      %dma_wait3A_32 = tpu.memref_slice %arg4[%arg0, %mul3A_4, %dma_wait3A] : memref<2x2560x128xi32, #tpu.memory_space<hbm>> -> memref<1x160x128xi32, #tpu.memory_space<hbm>>
      %dma_wait3A_33 = tpu.memref_squeeze %dma_wait3A_32 : memref<1x160x128xi32, #tpu.memory_space<hbm>> -> memref<160x128xi32, #tpu.memory_space<hbm>>
      %dma_wait3A_34 = arith.constant 0 : i32
      %dma_wait3A_35 = tpu.memref_slice %arg4[%arg0, %mul3A_4, %dma_wait3A_34] : memref<2x2560x128xi32, #tpu.memory_space<hbm>> -> memref<1x160x128xi32, #tpu.memory_space<hbm>>
      %dma_wait3A_36 = tpu.memref_squeeze %dma_wait3A_35 : memref<1x160x128xi32, #tpu.memory_space<hbm>> -> memref<160x128xi32, #tpu.memory_space<hbm>>
      tpu.wait_dma2 semaphore(%run_scoped3A : memref<!tpu.dma_semaphore, #tpu.memory_space<semaphore_mem>>) src(%dma_wait3A_36 : memref<160x128xi32, #tpu.memory_space<hbm>>) dst(%arg8 : memref<160x128xi32, #tpu.memory_space<vmem>>)
      tpu.yield
    }) : () -> ()
    %barrier3A = arith.constant 0 : index
    tpu.barrier barrier_id(%barrier3A)
    %dma_start3A = arith.constant 0 : i32
    %dma_start3A_5 = arith.constant 0 : i32
    %dma_start3A_6 = arith.constant 0 : i32
    %dma_start3A_7 = arith.constant 0 : i32
    %dma_start3A_8 = tpu.memref_slice %arg9[%dma_start3A_5, %dma_start3A_6, %dma_start3A_7] : memref<2x128x128xf32, #tpu.memory_space<vmem>> -> memref<1x128x128xf32, #tpu.memory_space<vmem>>
    %dma_start3A_9 = tpu.memref_squeeze %dma_start3A_8 : memref<1x128x128xf32, #tpu.memory_space<vmem>> -> memref<128x128xf32, #tpu.memory_space<vmem>>
    %dma_start3A_10 = arith.constant 0 : i32
    %dma_start3A_11 = tpu.memref_slice %arg7[%dma_start3A, %dma_start3A_10] : memref<160x128xi32, #tpu.memory_space<vmem>> -> memref<1x128xi32, #tpu.memory_space<vmem>>
    %dma_start3A_12 = tpu.memref_squeeze %dma_start3A_11 : memref<1x128xi32, #tpu.memory_space<vmem>> -> memref<128xi32, #tpu.memory_space<vmem>>
    %dma_start3A_13 = arith.constant 0 : i32
    %dma_start3A_14 = arith.constant 0 : i32
    %dma_start3A_15 = tpu.memref_slice %arg2[%dma_start3A_13, %dma_start3A_14] : memref<10000x128xf32, #tpu.memory_space<hbm>> -> memref<10000x128xf32, #tpu.memory_space<hbm>>
    tpu.enqueue_indirect_dma source(%dma_start3A_15 : memref<10000x128xf32, #tpu.memory_space<hbm>>) target(%dma_start3A_9 : memref<128x128xf32, #tpu.memory_space<vmem>>) offsets(%dma_start3A_12 : memref<128xi32, #tpu.memory_space<vmem>>) semaphore(%arg11 : memref<!tpu.dma_semaphore, #tpu.memory_space<semaphore_mem>>)
    %scan3A = arith.constant 0 : i32
    %scan3A_16 = arith.constant 0 : i32
    %scan3A_17 = arith.constant 80 : i32
    %scan3A_18 = arith.addi %scan3A_16, %scan3A_17 : i32
    %scan3A_19 = arith.constant 1 : i32
    scf.for %scan3A_26 = %scan3A_16 to %scan3A_18 step %scan3A_19  : i32 {
      %mul3A_27 = arith.constant 2 : i32
      %mul3A_28 = arith.muli %mul3A_27, %scan3A_26 : i32
      %add3A = arith.constant 1 : i32
      %add3A_29 = arith.addi %mul3A_28, %add3A : i32
      %dma_start3A_30 = arith.constant 1 : i32
      %dma_start3A_31 = arith.constant 0 : i32
      %dma_start3A_32 = arith.constant 0 : i32
      %dma_start3A_33 = tpu.memref_slice %arg9[%dma_start3A_30, %dma_start3A_31, %dma_start3A_32] : memref<2x128x128xf32, #tpu.memory_space<vmem>> -> memref<1x128x128xf32, #tpu.memory_space<vmem>>
      %dma_start3A_34 = tpu.memref_squeeze %dma_start3A_33 : memref<1x128x128xf32, #tpu.memory_space<vmem>> -> memref<128x128xf32, #tpu.memory_space<vmem>>
      %dma_start3A_35 = arith.constant 0 : i32
      %dma_start3A_36 = tpu.memref_slice %arg7[%add3A_29, %dma_start3A_35] : memref<160x128xi32, #tpu.memory_space<vmem>> -> memref<1x128xi32, #tpu.memory_space<vmem>>
      %dma_start3A_37 = tpu.memref_squeeze %dma_start3A_36 : memref<1x128xi32, #tpu.memory_space<vmem>> -> memref<128xi32, #tpu.memory_space<vmem>>
      %dma_start3A_38 = arith.constant 0 : i32
      %dma_start3A_39 = arith.constant 0 : i32
      %dma_start3A_40 = tpu.memref_slice %arg2[%dma_start3A_38, %dma_start3A_39] : memref<10000x128xf32, #tpu.memory_space<hbm>> -> memref<10000x128xf32, #tpu.memory_space<hbm>>
      tpu.enqueue_indirect_dma source(%dma_start3A_40 : memref<10000x128xf32, #tpu.memory_space<hbm>>) target(%dma_start3A_34 : memref<128x128xf32, #tpu.memory_space<vmem>>) offsets(%dma_start3A_37 : memref<128xi32, #tpu.memory_space<vmem>>) semaphore(%arg12 : memref<!tpu.dma_semaphore, #tpu.memory_space<semaphore_mem>>)
      %dma_wait3A = arith.constant 0 : i32
      %dma_wait3A_41 = arith.constant 0 : i32
      %dma_wait3A_42 = arith.constant 0 : i32
      %dma_wait3A_43 = tpu.memref_slice %arg9[%dma_wait3A, %dma_wait3A_41, %dma_wait3A_42] : memref<2x128x128xf32, #tpu.memory_space<vmem>> -> memref<1x128x128xf32, #tpu.memory_space<vmem>>
      %dma_wait3A_44 = tpu.memref_squeeze %dma_wait3A_43 : memref<1x128x128xf32, #tpu.memory_space<vmem>> -> memref<128x128xf32, #tpu.memory_space<vmem>>
      %dma_wait3A_45 = arith.constant 0 : i32
      %dma_wait3A_46 = tpu.memref_slice %arg7[%mul3A_28, %dma_wait3A_45] : memref<160x128xi32, #tpu.memory_space<vmem>> -> memref<1x128xi32, #tpu.memory_space<vmem>>
      %dma_wait3A_47 = tpu.memref_squeeze %dma_wait3A_46 : memref<1x128xi32, #tpu.memory_space<vmem>> -> memref<128xi32, #tpu.memory_space<vmem>>
      %dma_wait3A_48 = arith.constant 0 : i32
      %dma_wait3A_49 = arith.constant 0 : i32
      %dma_wait3A_50 = tpu.memref_slice %arg2[%dma_wait3A_48, %dma_wait3A_49] : memref<10000x128xf32, #tpu.memory_space<hbm>> -> memref<10000x128xf32, #tpu.memory_space<hbm>>
      tpu.wait_indirect_dma semaphore(%arg11 : memref<!tpu.dma_semaphore, #tpu.memory_space<semaphore_mem>>) src(%dma_wait3A_50 : memref<10000x128xf32, #tpu.memory_space<hbm>>) dst(%dma_wait3A_44 : memref<128x128xf32, #tpu.memory_space<vmem>>)
      %run_scoped3A = arith.constant 0 : i32
      "tpu.region"() ({
        %run_scoped3A_67 = tpu.sem_alloc : memref<!tpu.dma_semaphore, #tpu.memory_space<semaphore_mem>>
        %dma_start3A_68 = arith.constant 0 : i32
        %dma_start3A_69 = arith.constant 0 : i32
        %dma_start3A_70 = tpu.memref_slice %arg9[%run_scoped3A, %dma_start3A_68, %dma_start3A_69] : memref<2x128x128xf32, #tpu.memory_space<vmem>> -> memref<1x128x128xf32, #tpu.memory_space<vmem>>
        %dma_start3A_71 = tpu.memref_squeeze %dma_start3A_70 : memref<1x128x128xf32, #tpu.memory_space<vmem>> -> memref<128x128xf32, #tpu.memory_space<vmem>>
        %dma_start3A_72 = arith.constant 0 : i32
        %dma_start3A_73 = tpu.memref_slice %arg8[%mul3A_28, %dma_start3A_72] : memref<160x128xi32, #tpu.memory_space<vmem>> -> memref<1x128xi32, #tpu.memory_space<vmem>>
        %dma_start3A_74 = tpu.memref_squeeze %dma_start3A_73 : memref<1x128xi32, #tpu.memory_space<vmem>> -> memref<128xi32, #tpu.memory_space<vmem>>
        %dma_start3A_75 = arith.constant 0 : i32
        %dma_start3A_76 = arith.constant 0 : i32
        %dma_start3A_77 = tpu.memref_slice %arg10[%dma_start3A_75, %dma_start3A_76] : memref<5248x128xf32, #tpu.memory_space<vmem_shared>> -> memref<5248x128xf32, #tpu.memory_space<vmem_shared>>
        tpu.enqueue_indirect_dma source(%dma_start3A_71 : memref<128x128xf32, #tpu.memory_space<vmem>>) target(%dma_start3A_77 : memref<5248x128xf32, #tpu.memory_space<vmem_shared>>) offsets(%dma_start3A_74 : memref<128xi32, #tpu.memory_space<vmem>>) semaphore(%run_scoped3A_67 : memref<!tpu.dma_semaphore, #tpu.memory_space<semaphore_mem>>) {add = true}
        %dma_wait3A_78 = arith.constant 0 : i32
        %dma_wait3A_79 = arith.constant 0 : i32
        %dma_wait3A_80 = tpu.memref_slice %arg9[%run_scoped3A, %dma_wait3A_78, %dma_wait3A_79] : memref<2x128x128xf32, #tpu.memory_space<vmem>> -> memref<1x128x128xf32, #tpu.memory_space<vmem>>
        %dma_wait3A_81 = tpu.memref_squeeze %dma_wait3A_80 : memref<1x128x128xf32, #tpu.memory_space<vmem>> -> memref<128x128xf32, #tpu.memory_space<vmem>>
        %dma_wait3A_82 = arith.constant 0 : i32
        %dma_wait3A_83 = tpu.memref_slice %arg8[%mul3A_28, %dma_wait3A_82] : memref<160x128xi32, #tpu.memory_space<vmem>> -> memref<1x128xi32, #tpu.memory_space<vmem>>
        %dma_wait3A_84 = tpu.memref_squeeze %dma_wait3A_83 : memref<1x128xi32, #tpu.memory_space<vmem>> -> memref<128xi32, #tpu.memory_space<vmem>>
        %dma_wait3A_85 = arith.constant 0 : i32
        %dma_wait3A_86 = arith.constant 0 : i32
        %dma_wait3A_87 = tpu.memref_slice %arg10[%dma_wait3A_85, %dma_wait3A_86] : memref<5248x128xf32, #tpu.memory_space<vmem_shared>> -> memref<5248x128xf32, #tpu.memory_space<vmem_shared>>
        tpu.wait_indirect_dma semaphore(%run_scoped3A_67 : memref<!tpu.dma_semaphore, #tpu.memory_space<semaphore_mem>>) src(%dma_wait3A_81 : memref<128x128xf32, #tpu.memory_space<vmem>>) dst(%dma_wait3A_87 : memref<5248x128xf32, #tpu.memory_space<vmem_shared>>)
        tpu.yield
      }) : () -> ()
      %add3A_51 = arith.constant 2 : i32
      %add3A_52 = arith.addi %mul3A_28, %add3A_51 : i32
      %lt3A = arith.constant 160 : i32
      %lt3A_53 = arith.cmpi slt, %add3A_52, %lt3A : i32
      %convert_element_type3A = arith.extui %lt3A_53 : i1 to i32
      %cond3A = arith.constant 0 : i32
      %cond3A_54 = arith.cmpi ne, %convert_element_type3A, %cond3A : i32
      scf.if %cond3A_54 {
        %add3A_67 = arith.constant 2 : i32
        %add3A_68 = arith.addi %mul3A_28, %add3A_67 : i32
        %dma_start3A_69 = arith.constant 0 : i32
        %dma_start3A_70 = arith.constant 0 : i32
        %dma_start3A_71 = arith.constant 0 : i32
        %dma_start3A_72 = tpu.memref_slice %arg9[%dma_start3A_69, %dma_start3A_70, %dma_start3A_71] : memref<2x128x128xf32, #tpu.memory_space<vmem>> -> memref<1x128x128xf32, #tpu.memory_space<vmem>>
        %dma_start3A_73 = tpu.memref_squeeze %dma_start3A_72 : memref<1x128x128xf32, #tpu.memory_space<vmem>> -> memref<128x128xf32, #tpu.memory_space<vmem>>
        %dma_start3A_74 = arith.constant 0 : i32
        %dma_start3A_75 = tpu.memref_slice %arg7[%add3A_68, %dma_start3A_74] : memref<160x128xi32, #tpu.memory_space<vmem>> -> memref<1x128xi32, #tpu.memory_space<vmem>>
        %dma_start3A_76 = tpu.memref_squeeze %dma_start3A_75 : memref<1x128xi32, #tpu.memory_space<vmem>> -> memref<128xi32, #tpu.memory_space<vmem>>
        %dma_start3A_77 = arith.constant 0 : i32
        %dma_start3A_78 = arith.constant 0 : i32
        %dma_start3A_79 = tpu.memref_slice %arg2[%dma_start3A_77, %dma_start3A_78] : memref<10000x128xf32, #tpu.memory_space<hbm>> -> memref<10000x128xf32, #tpu.memory_space<hbm>>
        tpu.enqueue_indirect_dma source(%dma_start3A_79 : memref<10000x128xf32, #tpu.memory_space<hbm>>) target(%dma_start3A_73 : memref<128x128xf32, #tpu.memory_space<vmem>>) offsets(%dma_start3A_76 : memref<128xi32, #tpu.memory_space<vmem>>) semaphore(%arg11 : memref<!tpu.dma_semaphore, #tpu.memory_space<semaphore_mem>>)
      } else {
      }
      %dma_wait3A_55 = arith.constant 1 : i32
      %dma_wait3A_56 = arith.constant 0 : i32
      %dma_wait3A_57 = arith.constant 0 : i32
      %dma_wait3A_58 = tpu.memref_slice %arg9[%dma_wait3A_55, %dma_wait3A_56, %dma_wait3A_57] : memref<2x128x128xf32, #tpu.memory_space<vmem>> -> memref<1x128x128xf32, #tpu.memory_space<vmem>>
      %dma_wait3A_59 = tpu.memref_squeeze %dma_wait3A_58 : memref<1x128x128xf32, #tpu.memory_space<vmem>> -> memref<128x128xf32, #tpu.memory_space<vmem>>
      %dma_wait3A_60 = arith.constant 0 : i32
      %dma_wait3A_61 = tpu.memref_slice %arg7[%add3A_29, %dma_wait3A_60] : memref<160x128xi32, #tpu.memory_space<vmem>> -> memref<1x128xi32, #tpu.memory_space<vmem>>
      %dma_wait3A_62 = tpu.memref_squeeze %dma_wait3A_61 : memref<1x128xi32, #tpu.memory_space<vmem>> -> memref<128xi32, #tpu.memory_space<vmem>>
      %dma_wait3A_63 = arith.constant 0 : i32
      %dma_wait3A_64 = arith.constant 0 : i32
      %dma_wait3A_65 = tpu.memref_slice %arg2[%dma_wait3A_63, %dma_wait3A_64] : memref<10000x128xf32, #tpu.memory_space<hbm>> -> memref<10000x128xf32, #tpu.memory_space<hbm>>
      tpu.wait_indirect_dma semaphore(%arg12 : memref<!tpu.dma_semaphore, #tpu.memory_space<semaphore_mem>>) src(%dma_wait3A_65 : memref<10000x128xf32, #tpu.memory_space<hbm>>) dst(%dma_wait3A_59 : memref<128x128xf32, #tpu.memory_space<vmem>>)
      %run_scoped3A_66 = arith.constant 1 : i32
      "tpu.region"() ({
        %run_scoped3A_67 = tpu.sem_alloc : memref<!tpu.dma_semaphore, #tpu.memory_space<semaphore_mem>>
        %dma_start3A_68 = arith.constant 0 : i32
        %dma_start3A_69 = arith.constant 0 : i32
        %dma_start3A_70 = tpu.memref_slice %arg9[%run_scoped3A_66, %dma_start3A_68, %dma_start3A_69] : memref<2x128x128xf32, #tpu.memory_space<vmem>> -> memref<1x128x128xf32, #tpu.memory_space<vmem>>
        %dma_start3A_71 = tpu.memref_squeeze %dma_start3A_70 : memref<1x128x128xf32, #tpu.memory_space<vmem>> -> memref<128x128xf32, #tpu.memory_space<vmem>>
        %dma_start3A_72 = arith.constant 0 : i32
        %dma_start3A_73 = tpu.memref_slice %arg8[%add3A_29, %dma_start3A_72] : memref<160x128xi32, #tpu.memory_space<vmem>> -> memref<1x128xi32, #tpu.memory_space<vmem>>
        %dma_start3A_74 = tpu.memref_squeeze %dma_start3A_73 : memref<1x128xi32, #tpu.memory_space<vmem>> -> memref<128xi32, #tpu.memory_space<vmem>>
        %dma_start3A_75 = arith.constant 0 : i32
        %dma_start3A_76 = arith.constant 0 : i32
        %dma_start3A_77 = tpu.memref_slice %arg10[%dma_start3A_75, %dma_start3A_76] : memref<5248x128xf32, #tpu.memory_space<vmem_shared>> -> memref<5248x128xf32, #tpu.memory_space<vmem_shared>>
        tpu.enqueue_indirect_dma source(%dma_start3A_71 : memref<128x128xf32, #tpu.memory_space<vmem>>) target(%dma_start3A_77 : memref<5248x128xf32, #tpu.memory_space<vmem_shared>>) offsets(%dma_start3A_74 : memref<128xi32, #tpu.memory_space<vmem>>) semaphore(%run_scoped3A_67 : memref<!tpu.dma_semaphore, #tpu.memory_space<semaphore_mem>>) {add = true}
        %dma_wait3A_78 = arith.constant 0 : i32
        %dma_wait3A_79 = arith.constant 0 : i32
        %dma_wait3A_80 = tpu.memref_slice %arg9[%run_scoped3A_66, %dma_wait3A_78, %dma_wait3A_79] : memref<2x128x128xf32, #tpu.memory_space<vmem>> -> memref<1x128x128xf32, #tpu.memory_space<vmem>>
        %dma_wait3A_81 = tpu.memref_squeeze %dma_wait3A_80 : memref<1x128x128xf32, #tpu.memory_space<vmem>> -> memref<128x128xf32, #tpu.memory_space<vmem>>
        %dma_wait3A_82 = arith.constant 0 : i32
        %dma_wait3A_83 = tpu.memref_slice %arg8[%add3A_29, %dma_wait3A_82] : memref<160x128xi32, #tpu.memory_space<vmem>> -> memref<1x128xi32, #tpu.memory_space<vmem>>
        %dma_wait3A_84 = tpu.memref_squeeze %dma_wait3A_83 : memref<1x128xi32, #tpu.memory_space<vmem>> -> memref<128xi32, #tpu.memory_space<vmem>>
        %dma_wait3A_85 = arith.constant 0 : i32
        %dma_wait3A_86 = arith.constant 0 : i32
        %dma_wait3A_87 = tpu.memref_slice %arg10[%dma_wait3A_85, %dma_wait3A_86] : memref<5248x128xf32, #tpu.memory_space<vmem_shared>> -> memref<5248x128xf32, #tpu.memory_space<vmem_shared>>
        tpu.wait_indirect_dma semaphore(%run_scoped3A_67 : memref<!tpu.dma_semaphore, #tpu.memory_space<semaphore_mem>>) src(%dma_wait3A_81 : memref<128x128xf32, #tpu.memory_space<vmem>>) dst(%dma_wait3A_87 : memref<5248x128xf32, #tpu.memory_space<vmem_shared>>)
        tpu.yield
      }) : () -> ()
    }
    %scan3A_20 = arith.constant 80 : i32
    %barrier3A_21 = arith.constant 0 : index
    tpu.barrier barrier_id(%barrier3A_21)
    %mul3A_22 = arith.constant 320 : i32
    %mul3A_23 = arith.muli %arg1, %mul3A_22 : i32
    %mul3A_24 = arith.constant 320 : i32
    %mul3A_25 = arith.muli %arg1, %mul3A_24 : i32
    "tpu.region"() ({
      %run_scoped3A = tpu.sem_alloc : memref<!tpu.dma_semaphore, #tpu.memory_space<semaphore_mem>>
      %dma_start3A_26 = arith.constant 0 : i32
      %dma_start3A_27 = tpu.memref_slice %arg6[%arg0, %mul3A_25, %dma_start3A_26] : memref<2x5120x128xf32, #tpu.memory_space<hbm>> -> memref<1x320x128xf32, #tpu.memory_space<hbm>>
      %dma_start3A_28 = tpu.memref_squeeze %dma_start3A_27 : memref<1x320x128xf32, #tpu.memory_space<hbm>> -> memref<320x128xf32, #tpu.memory_space<hbm>>
      %dma_start3A_29 = arith.constant 0 : i32
      %dma_start3A_30 = tpu.memref_slice %arg10[%mul3A_23, %dma_start3A_29] : memref<5248x128xf32, #tpu.memory_space<vmem_shared>> -> memref<320x128xf32, #tpu.memory_space<vmem_shared>>
      tpu.enqueue_dma source(%dma_start3A_30 : memref<320x128xf32, #tpu.memory_space<vmem_shared>>) target(%dma_start3A_28 : memref<320x128xf32, #tpu.memory_space<hbm>>) target_semaphore(%run_scoped3A : memref<!tpu.dma_semaphore, #tpu.memory_space<semaphore_mem>>)
      %dma_wait3A = arith.constant 0 : i32
      %dma_wait3A_31 = tpu.memref_slice %arg6[%arg0, %mul3A_25, %dma_wait3A] : memref<2x5120x128xf32, #tpu.memory_space<hbm>> -> memref<1x320x128xf32, #tpu.memory_space<hbm>>
      %dma_wait3A_32 = tpu.memref_squeeze %dma_wait3A_31 : memref<1x320x128xf32, #tpu.memory_space<hbm>> -> memref<320x128xf32, #tpu.memory_space<hbm>>
      %dma_wait3A_33 = arith.constant 0 : i32
      %dma_wait3A_34 = tpu.memref_slice %arg10[%mul3A_23, %dma_wait3A_33] : memref<5248x128xf32, #tpu.memory_space<vmem_shared>> -> memref<320x128xf32, #tpu.memory_space<vmem_shared>>
      tpu.wait_dma2 semaphore(%run_scoped3A : memref<!tpu.dma_semaphore, #tpu.memory_space<semaphore_mem>>) src(%dma_wait3A_34 : memref<320x128xf32, #tpu.memory_space<vmem_shared>>) dst(%dma_wait3A_32 : memref<320x128xf32, #tpu.memory_space<hbm>>)
      tpu.yield
    }) : () -> ()
    return
  }
}

#map = affine_map<(d0, d1) -> (0, 0)>
#map1 = affine_map<(d0, d1) -> (0, 0, 0)>
module attributes {stable_mosaic.version = 14 : i64} {
  func.func @_agg_sc(%arg0: i32, %arg1: i32, %arg2: memref<10000x128xf32, #tpu.memory_space<hbm>>, %arg3: memref<2560x128xi32, #tpu.memory_space<hbm>>, %arg4: memref<2x2560x128xi32, #tpu.memory_space<hbm>>, %arg5: memref<328x128xf32, #tpu.memory_space<hbm>>, %arg6: memref<2x5120x128xf32, #tpu.memory_space<hbm>>, %arg7: memref<160x128xi32, #tpu.memory_space<vmem>>, %arg8: memref<160x128xi32, #tpu.memory_space<vmem>>, %arg9: memref<2x128x128xf32, #tpu.memory_space<vmem>>, %arg10: memref<5248x128xf32, #tpu.memory_space<vmem_shared>>, %arg11: memref<!tpu.dma_semaphore, #tpu.memory_space<semaphore_mem>>, %arg12: memref<!tpu.dma_semaphore, #tpu.memory_space<semaphore_mem>>) attributes {dimension_semantics = [#tpu.dimension_semantics<core_parallel>, #tpu.dimension_semantics<subcore_parallel>], iteration_bounds = array<i64: 2, 16>, scalar_prefetch = 0 : i64, scratch_operands = 6 : i64, tpu.core_type = #tpu.core_type<sc_vector_subcore>, window_params = [{transform_indices = #map}, {transform_indices = #map}, {transform_indices = #map1}, {transform_indices = #map}, {transform_indices = #map1}]} {
    %mul3A = arith.constant 328 : i32
    %mul3A_0 = arith.muli %arg1, %mul3A : i32
    "tpu.region"() ({
      %run_scoped3A = tpu.sem_alloc : memref<!tpu.dma_semaphore, #tpu.memory_space<semaphore_mem>>
      %dma_start3A_26 = arith.constant 0 : i32
      %dma_start3A_27 = tpu.memref_slice %arg10[%mul3A_0, %dma_start3A_26] : memref<5248x128xf32, #tpu.memory_space<vmem_shared>> -> memref<328x128xf32, #tpu.memory_space<vmem_shared>>
      tpu.enqueue_dma source(%arg5 : memref<328x128xf32, #tpu.memory_space<hbm>>) target(%dma_start3A_27 : memref<328x128xf32, #tpu.memory_space<vmem_shared>>) target_semaphore(%run_scoped3A : memref<!tpu.dma_semaphore, #tpu.memory_space<semaphore_mem>>)
      %dma_wait3A = arith.constant 0 : i32
      %dma_wait3A_28 = tpu.memref_slice %arg10[%mul3A_0, %dma_wait3A] : memref<5248x128xf32, #tpu.memory_space<vmem_shared>> -> memref<328x128xf32, #tpu.memory_space<vmem_shared>>
      tpu.wait_dma2 semaphore(%run_scoped3A : memref<!tpu.dma_semaphore, #tpu.memory_space<semaphore_mem>>) src(%arg5 : memref<328x128xf32, #tpu.memory_space<hbm>>) dst(%dma_wait3A_28 : memref<328x128xf32, #tpu.memory_space<vmem_shared>>)
      tpu.yield
    }) : () -> ()
    %mul3A_1 = arith.constant 160 : i32
    %mul3A_2 = arith.muli %arg1, %mul3A_1 : i32
    "tpu.region"() ({
      %run_scoped3A = tpu.sem_alloc : memref<!tpu.dma_semaphore, #tpu.memory_space<semaphore_mem>>
      %dma_start3A_26 = arith.constant 0 : i32
      %dma_start3A_27 = tpu.memref_slice %arg3[%mul3A_2, %dma_start3A_26] : memref<2560x128xi32, #tpu.memory_space<hbm>> -> memref<160x128xi32, #tpu.memory_space<hbm>>
      %dma_start3A_28 = arith.constant 0 : i32
      %dma_start3A_29 = tpu.memref_slice %arg3[%mul3A_2, %dma_start3A_28] : memref<2560x128xi32, #tpu.memory_space<hbm>> -> memref<160x128xi32, #tpu.memory_space<hbm>>
      tpu.enqueue_dma source(%dma_start3A_29 : memref<160x128xi32, #tpu.memory_space<hbm>>) target(%arg7 : memref<160x128xi32, #tpu.memory_space<vmem>>) target_semaphore(%run_scoped3A : memref<!tpu.dma_semaphore, #tpu.memory_space<semaphore_mem>>)
      %dma_wait3A = arith.constant 0 : i32
      %dma_wait3A_30 = tpu.memref_slice %arg3[%mul3A_2, %dma_wait3A] : memref<2560x128xi32, #tpu.memory_space<hbm>> -> memref<160x128xi32, #tpu.memory_space<hbm>>
      %dma_wait3A_31 = arith.constant 0 : i32
      %dma_wait3A_32 = tpu.memref_slice %arg3[%mul3A_2, %dma_wait3A_31] : memref<2560x128xi32, #tpu.memory_space<hbm>> -> memref<160x128xi32, #tpu.memory_space<hbm>>
      tpu.wait_dma2 semaphore(%run_scoped3A : memref<!tpu.dma_semaphore, #tpu.memory_space<semaphore_mem>>) src(%dma_wait3A_32 : memref<160x128xi32, #tpu.memory_space<hbm>>) dst(%arg7 : memref<160x128xi32, #tpu.memory_space<vmem>>)
      tpu.yield
    }) : () -> ()
    %mul3A_3 = arith.constant 160 : i32
    %mul3A_4 = arith.muli %arg1, %mul3A_3 : i32
    "tpu.region"() ({
      %run_scoped3A = tpu.sem_alloc : memref<!tpu.dma_semaphore, #tpu.memory_space<semaphore_mem>>
      %dma_start3A_26 = arith.constant 0 : i32
      %dma_start3A_27 = tpu.memref_slice %arg4[%arg0, %mul3A_4, %dma_start3A_26] : memref<2x2560x128xi32, #tpu.memory_space<hbm>> -> memref<1x160x128xi32, #tpu.memory_space<hbm>>
      %dma_start3A_28 = tpu.memref_squeeze %dma_start3A_27 : memref<1x160x128xi32, #tpu.memory_space<hbm>> -> memref<160x128xi32, #tpu.memory_space<hbm>>
      %dma_start3A_29 = arith.constant 0 : i32
      %dma_start3A_30 = tpu.memref_slice %arg4[%arg0, %mul3A_4, %dma_start3A_29] : memref<2x2560x128xi32, #tpu.memory_space<hbm>> -> memref<1x160x128xi32, #tpu.memory_space<hbm>>
      %dma_start3A_31 = tpu.memref_squeeze %dma_start3A_30 : memref<1x160x128xi32, #tpu.memory_space<hbm>> -> memref<160x128xi32, #tpu.memory_space<hbm>>
      tpu.enqueue_dma source(%dma_start3A_31 : memref<160x128xi32, #tpu.memory_space<hbm>>) target(%arg8 : memref<160x128xi32, #tpu.memory_space<vmem>>) target_semaphore(%run_scoped3A : memref<!tpu.dma_semaphore, #tpu.memory_space<semaphore_mem>>)
      %dma_wait3A = arith.constant 0 : i32
      %dma_wait3A_32 = tpu.memref_slice %arg4[%arg0, %mul3A_4, %dma_wait3A] : memref<2x2560x128xi32, #tpu.memory_space<hbm>> -> memref<1x160x128xi32, #tpu.memory_space<hbm>>
      %dma_wait3A_33 = tpu.memref_squeeze %dma_wait3A_32 : memref<1x160x128xi32, #tpu.memory_space<hbm>> -> memref<160x128xi32, #tpu.memory_space<hbm>>
      %dma_wait3A_34 = arith.constant 0 : i32
      %dma_wait3A_35 = tpu.memref_slice %arg4[%arg0, %mul3A_4, %dma_wait3A_34] : memref<2x2560x128xi32, #tpu.memory_space<hbm>> -> memref<1x160x128xi32, #tpu.memory_space<hbm>>
      %dma_wait3A_36 = tpu.memref_squeeze %dma_wait3A_35 : memref<1x160x128xi32, #tpu.memory_space<hbm>> -> memref<160x128xi32, #tpu.memory_space<hbm>>
      tpu.wait_dma2 semaphore(%run_scoped3A : memref<!tpu.dma_semaphore, #tpu.memory_space<semaphore_mem>>) src(%dma_wait3A_36 : memref<160x128xi32, #tpu.memory_space<hbm>>) dst(%arg8 : memref<160x128xi32, #tpu.memory_space<vmem>>)
      tpu.yield
    }) : () -> ()
    %barrier3A = arith.constant 0 : index
    tpu.barrier barrier_id(%barrier3A)
    %dma_start3A = arith.constant 0 : i32
    %dma_start3A_5 = arith.constant 0 : i32
    %dma_start3A_6 = arith.constant 0 : i32
    %dma_start3A_7 = arith.constant 0 : i32
    %dma_start3A_8 = tpu.memref_slice %arg9[%dma_start3A_5, %dma_start3A_6, %dma_start3A_7] : memref<2x128x128xf32, #tpu.memory_space<vmem>> -> memref<1x128x128xf32, #tpu.memory_space<vmem>>
    %dma_start3A_9 = tpu.memref_squeeze %dma_start3A_8 : memref<1x128x128xf32, #tpu.memory_space<vmem>> -> memref<128x128xf32, #tpu.memory_space<vmem>>
    %dma_start3A_10 = arith.constant 0 : i32
    %dma_start3A_11 = tpu.memref_slice %arg7[%dma_start3A, %dma_start3A_10] : memref<160x128xi32, #tpu.memory_space<vmem>> -> memref<1x128xi32, #tpu.memory_space<vmem>>
    %dma_start3A_12 = tpu.memref_squeeze %dma_start3A_11 : memref<1x128xi32, #tpu.memory_space<vmem>> -> memref<128xi32, #tpu.memory_space<vmem>>
    %dma_start3A_13 = arith.constant 0 : i32
    %dma_start3A_14 = arith.constant 0 : i32
    %dma_start3A_15 = tpu.memref_slice %arg2[%dma_start3A_13, %dma_start3A_14] : memref<10000x128xf32, #tpu.memory_space<hbm>> -> memref<10000x128xf32, #tpu.memory_space<hbm>>
    tpu.enqueue_indirect_dma source(%dma_start3A_15 : memref<10000x128xf32, #tpu.memory_space<hbm>>) target(%dma_start3A_9 : memref<128x128xf32, #tpu.memory_space<vmem>>) offsets(%dma_start3A_12 : memref<128xi32, #tpu.memory_space<vmem>>) semaphore(%arg11 : memref<!tpu.dma_semaphore, #tpu.memory_space<semaphore_mem>>)
    %scan3A = arith.constant 0 : i32
    %scan3A_16 = arith.constant 0 : i32
    %scan3A_17 = arith.constant 80 : i32
    %scan3A_18 = arith.addi %scan3A_16, %scan3A_17 : i32
    %scan3A_19 = arith.constant 1 : i32
    scf.for %scan3A_26 = %scan3A_16 to %scan3A_18 step %scan3A_19  : i32 {
      %mul3A_27 = arith.constant 2 : i32
      %mul3A_28 = arith.muli %mul3A_27, %scan3A_26 : i32
      %add3A = arith.constant 1 : i32
      %add3A_29 = arith.addi %mul3A_28, %add3A : i32
      %dma_start3A_30 = arith.constant 1 : i32
      %dma_start3A_31 = arith.constant 0 : i32
      %dma_start3A_32 = arith.constant 0 : i32
      %dma_start3A_33 = tpu.memref_slice %arg9[%dma_start3A_30, %dma_start3A_31, %dma_start3A_32] : memref<2x128x128xf32, #tpu.memory_space<vmem>> -> memref<1x128x128xf32, #tpu.memory_space<vmem>>
      %dma_start3A_34 = tpu.memref_squeeze %dma_start3A_33 : memref<1x128x128xf32, #tpu.memory_space<vmem>> -> memref<128x128xf32, #tpu.memory_space<vmem>>
      %dma_start3A_35 = arith.constant 0 : i32
      %dma_start3A_36 = tpu.memref_slice %arg7[%add3A_29, %dma_start3A_35] : memref<160x128xi32, #tpu.memory_space<vmem>> -> memref<1x128xi32, #tpu.memory_space<vmem>>
      %dma_start3A_37 = tpu.memref_squeeze %dma_start3A_36 : memref<1x128xi32, #tpu.memory_space<vmem>> -> memref<128xi32, #tpu.memory_space<vmem>>
      %dma_start3A_38 = arith.constant 0 : i32
      %dma_start3A_39 = arith.constant 0 : i32
      %dma_start3A_40 = tpu.memref_slice %arg2[%dma_start3A_38, %dma_start3A_39] : memref<10000x128xf32, #tpu.memory_space<hbm>> -> memref<10000x128xf32, #tpu.memory_space<hbm>>
      tpu.enqueue_indirect_dma source(%dma_start3A_40 : memref<10000x128xf32, #tpu.memory_space<hbm>>) target(%dma_start3A_34 : memref<128x128xf32, #tpu.memory_space<vmem>>) offsets(%dma_start3A_37 : memref<128xi32, #tpu.memory_space<vmem>>) semaphore(%arg12 : memref<!tpu.dma_semaphore, #tpu.memory_space<semaphore_mem>>)
      %dma_wait3A = arith.constant 0 : i32
      %dma_wait3A_41 = arith.constant 0 : i32
      %dma_wait3A_42 = arith.constant 0 : i32
      %dma_wait3A_43 = tpu.memref_slice %arg9[%dma_wait3A, %dma_wait3A_41, %dma_wait3A_42] : memref<2x128x128xf32, #tpu.memory_space<vmem>> -> memref<1x128x128xf32, #tpu.memory_space<vmem>>
      %dma_wait3A_44 = tpu.memref_squeeze %dma_wait3A_43 : memref<1x128x128xf32, #tpu.memory_space<vmem>> -> memref<128x128xf32, #tpu.memory_space<vmem>>
      %dma_wait3A_45 = arith.constant 0 : i32
      %dma_wait3A_46 = tpu.memref_slice %arg7[%mul3A_28, %dma_wait3A_45] : memref<160x128xi32, #tpu.memory_space<vmem>> -> memref<1x128xi32, #tpu.memory_space<vmem>>
      %dma_wait3A_47 = tpu.memref_squeeze %dma_wait3A_46 : memref<1x128xi32, #tpu.memory_space<vmem>> -> memref<128xi32, #tpu.memory_space<vmem>>
      %dma_wait3A_48 = arith.constant 0 : i32
      %dma_wait3A_49 = arith.constant 0 : i32
      %dma_wait3A_50 = tpu.memref_slice %arg2[%dma_wait3A_48, %dma_wait3A_49] : memref<10000x128xf32, #tpu.memory_space<hbm>> -> memref<10000x128xf32, #tpu.memory_space<hbm>>
      tpu.wait_indirect_dma semaphore(%arg11 : memref<!tpu.dma_semaphore, #tpu.memory_space<semaphore_mem>>) src(%dma_wait3A_50 : memref<10000x128xf32, #tpu.memory_space<hbm>>) dst(%dma_wait3A_44 : memref<128x128xf32, #tpu.memory_space<vmem>>)
      %run_scoped3A = arith.constant 0 : i32
      "tpu.region"() ({
        %run_scoped3A_67 = tpu.sem_alloc : memref<!tpu.dma_semaphore, #tpu.memory_space<semaphore_mem>>
        %dma_start3A_68 = arith.constant 0 : i32
        %dma_start3A_69 = arith.constant 0 : i32
        %dma_start3A_70 = tpu.memref_slice %arg9[%run_scoped3A, %dma_start3A_68, %dma_start3A_69] : memref<2x128x128xf32, #tpu.memory_space<vmem>> -> memref<1x128x128xf32, #tpu.memory_space<vmem>>
        %dma_start3A_71 = tpu.memref_squeeze %dma_start3A_70 : memref<1x128x128xf32, #tpu.memory_space<vmem>> -> memref<128x128xf32, #tpu.memory_space<vmem>>
        %dma_start3A_72 = arith.constant 0 : i32
        %dma_start3A_73 = tpu.memref_slice %arg8[%mul3A_28, %dma_start3A_72] : memref<160x128xi32, #tpu.memory_space<vmem>> -> memref<1x128xi32, #tpu.memory_space<vmem>>
        %dma_start3A_74 = tpu.memref_squeeze %dma_start3A_73 : memref<1x128xi32, #tpu.memory_space<vmem>> -> memref<128xi32, #tpu.memory_space<vmem>>
        %dma_start3A_75 = arith.constant 0 : i32
        %dma_start3A_76 = arith.constant 0 : i32
        %dma_start3A_77 = tpu.memref_slice %arg10[%dma_start3A_75, %dma_start3A_76] : memref<5248x128xf32, #tpu.memory_space<vmem_shared>> -> memref<5248x128xf32, #tpu.memory_space<vmem_shared>>
        tpu.enqueue_indirect_dma source(%dma_start3A_71 : memref<128x128xf32, #tpu.memory_space<vmem>>) target(%dma_start3A_77 : memref<5248x128xf32, #tpu.memory_space<vmem_shared>>) offsets(%dma_start3A_74 : memref<128xi32, #tpu.memory_space<vmem>>) semaphore(%run_scoped3A_67 : memref<!tpu.dma_semaphore, #tpu.memory_space<semaphore_mem>>) {add = true}
        %dma_wait3A_78 = arith.constant 0 : i32
        %dma_wait3A_79 = arith.constant 0 : i32
        %dma_wait3A_80 = tpu.memref_slice %arg9[%run_scoped3A, %dma_wait3A_78, %dma_wait3A_79] : memref<2x128x128xf32, #tpu.memory_space<vmem>> -> memref<1x128x128xf32, #tpu.memory_space<vmem>>
        %dma_wait3A_81 = tpu.memref_squeeze %dma_wait3A_80 : memref<1x128x128xf32, #tpu.memory_space<vmem>> -> memref<128x128xf32, #tpu.memory_space<vmem>>
        %dma_wait3A_82 = arith.constant 0 : i32
        %dma_wait3A_83 = tpu.memref_slice %arg8[%mul3A_28, %dma_wait3A_82] : memref<160x128xi32, #tpu.memory_space<vmem>> -> memref<1x128xi32, #tpu.memory_space<vmem>>
        %dma_wait3A_84 = tpu.memref_squeeze %dma_wait3A_83 : memref<1x128xi32, #tpu.memory_space<vmem>> -> memref<128xi32, #tpu.memory_space<vmem>>
        %dma_wait3A_85 = arith.constant 0 : i32
        %dma_wait3A_86 = arith.constant 0 : i32
        %dma_wait3A_87 = tpu.memref_slice %arg10[%dma_wait3A_85, %dma_wait3A_86] : memref<5248x128xf32, #tpu.memory_space<vmem_shared>> -> memref<5248x128xf32, #tpu.memory_space<vmem_shared>>
        tpu.wait_indirect_dma semaphore(%run_scoped3A_67 : memref<!tpu.dma_semaphore, #tpu.memory_space<semaphore_mem>>) src(%dma_wait3A_81 : memref<128x128xf32, #tpu.memory_space<vmem>>) dst(%dma_wait3A_87 : memref<5248x128xf32, #tpu.memory_space<vmem_shared>>)
        tpu.yield
      }) : () -> ()
      %add3A_51 = arith.constant 2 : i32
      %add3A_52 = arith.addi %mul3A_28, %add3A_51 : i32
      %lt3A = arith.constant 160 : i32
      %lt3A_53 = arith.cmpi slt, %add3A_52, %lt3A : i32
      %convert_element_type3A = arith.extui %lt3A_53 : i1 to i32
      %cond3A = arith.constant 0 : i32
      %cond3A_54 = arith.cmpi ne, %convert_element_type3A, %cond3A : i32
      scf.if %cond3A_54 {
        %add3A_67 = arith.constant 2 : i32
        %add3A_68 = arith.addi %mul3A_28, %add3A_67 : i32
        %dma_start3A_69 = arith.constant 0 : i32
        %dma_start3A_70 = arith.constant 0 : i32
        %dma_start3A_71 = arith.constant 0 : i32
        %dma_start3A_72 = tpu.memref_slice %arg9[%dma_start3A_69, %dma_start3A_70, %dma_start3A_71] : memref<2x128x128xf32, #tpu.memory_space<vmem>> -> memref<1x128x128xf32, #tpu.memory_space<vmem>>
        %dma_start3A_73 = tpu.memref_squeeze %dma_start3A_72 : memref<1x128x128xf32, #tpu.memory_space<vmem>> -> memref<128x128xf32, #tpu.memory_space<vmem>>
        %dma_start3A_74 = arith.constant 0 : i32
        %dma_start3A_75 = tpu.memref_slice %arg7[%add3A_68, %dma_start3A_74] : memref<160x128xi32, #tpu.memory_space<vmem>> -> memref<1x128xi32, #tpu.memory_space<vmem>>
        %dma_start3A_76 = tpu.memref_squeeze %dma_start3A_75 : memref<1x128xi32, #tpu.memory_space<vmem>> -> memref<128xi32, #tpu.memory_space<vmem>>
        %dma_start3A_77 = arith.constant 0 : i32
        %dma_start3A_78 = arith.constant 0 : i32
        %dma_start3A_79 = tpu.memref_slice %arg2[%dma_start3A_77, %dma_start3A_78] : memref<10000x128xf32, #tpu.memory_space<hbm>> -> memref<10000x128xf32, #tpu.memory_space<hbm>>
        tpu.enqueue_indirect_dma source(%dma_start3A_79 : memref<10000x128xf32, #tpu.memory_space<hbm>>) target(%dma_start3A_73 : memref<128x128xf32, #tpu.memory_space<vmem>>) offsets(%dma_start3A_76 : memref<128xi32, #tpu.memory_space<vmem>>) semaphore(%arg11 : memref<!tpu.dma_semaphore, #tpu.memory_space<semaphore_mem>>)
      } else {
      }
      %dma_wait3A_55 = arith.constant 1 : i32
      %dma_wait3A_56 = arith.constant 0 : i32
      %dma_wait3A_57 = arith.constant 0 : i32
      %dma_wait3A_58 = tpu.memref_slice %arg9[%dma_wait3A_55, %dma_wait3A_56, %dma_wait3A_57] : memref<2x128x128xf32, #tpu.memory_space<vmem>> -> memref<1x128x128xf32, #tpu.memory_space<vmem>>
      %dma_wait3A_59 = tpu.memref_squeeze %dma_wait3A_58 : memref<1x128x128xf32, #tpu.memory_space<vmem>> -> memref<128x128xf32, #tpu.memory_space<vmem>>
      %dma_wait3A_60 = arith.constant 0 : i32
      %dma_wait3A_61 = tpu.memref_slice %arg7[%add3A_29, %dma_wait3A_60] : memref<160x128xi32, #tpu.memory_space<vmem>> -> memref<1x128xi32, #tpu.memory_space<vmem>>
      %dma_wait3A_62 = tpu.memref_squeeze %dma_wait3A_61 : memref<1x128xi32, #tpu.memory_space<vmem>> -> memref<128xi32, #tpu.memory_space<vmem>>
      %dma_wait3A_63 = arith.constant 0 : i32
      %dma_wait3A_64 = arith.constant 0 : i32
      %dma_wait3A_65 = tpu.memref_slice %arg2[%dma_wait3A_63, %dma_wait3A_64] : memref<10000x128xf32, #tpu.memory_space<hbm>> -> memref<10000x128xf32, #tpu.memory_space<hbm>>
      tpu.wait_indirect_dma semaphore(%arg12 : memref<!tpu.dma_semaphore, #tpu.memory_space<semaphore_mem>>) src(%dma_wait3A_65 : memref<10000x128xf32, #tpu.memory_space<hbm>>) dst(%dma_wait3A_59 : memref<128x128xf32, #tpu.memory_space<vmem>>)
      %run_scoped3A_66 = arith.constant 1 : i32
      "tpu.region"() ({
        %run_scoped3A_67 = tpu.sem_alloc : memref<!tpu.dma_semaphore, #tpu.memory_space<semaphore_mem>>
        %dma_start3A_68 = arith.constant 0 : i32
        %dma_start3A_69 = arith.constant 0 : i32
        %dma_start3A_70 = tpu.memref_slice %arg9[%run_scoped3A_66, %dma_start3A_68, %dma_start3A_69] : memref<2x128x128xf32, #tpu.memory_space<vmem>> -> memref<1x128x128xf32, #tpu.memory_space<vmem>>
        %dma_start3A_71 = tpu.memref_squeeze %dma_start3A_70 : memref<1x128x128xf32, #tpu.memory_space<vmem>> -> memref<128x128xf32, #tpu.memory_space<vmem>>
        %dma_start3A_72 = arith.constant 0 : i32
        %dma_start3A_73 = tpu.memref_slice %arg8[%add3A_29, %dma_start3A_72] : memref<160x128xi32, #tpu.memory_space<vmem>> -> memref<1x128xi32, #tpu.memory_space<vmem>>
        %dma_start3A_74 = tpu.memref_squeeze %dma_start3A_73 : memref<1x128xi32, #tpu.memory_space<vmem>> -> memref<128xi32, #tpu.memory_space<vmem>>
        %dma_start3A_75 = arith.constant 0 : i32
        %dma_start3A_76 = arith.constant 0 : i32
        %dma_start3A_77 = tpu.memref_slice %arg10[%dma_start3A_75, %dma_start3A_76] : memref<5248x128xf32, #tpu.memory_space<vmem_shared>> -> memref<5248x128xf32, #tpu.memory_space<vmem_shared>>
        tpu.enqueue_indirect_dma source(%dma_start3A_71 : memref<128x128xf32, #tpu.memory_space<vmem>>) target(%dma_start3A_77 : memref<5248x128xf32, #tpu.memory_space<vmem_shared>>) offsets(%dma_start3A_74 : memref<128xi32, #tpu.memory_space<vmem>>) semaphore(%run_scoped3A_67 : memref<!tpu.dma_semaphore, #tpu.memory_space<semaphore_mem>>) {add = true}
        %dma_wait3A_78 = arith.constant 0 : i32
        %dma_wait3A_79 = arith.constant 0 : i32
        %dma_wait3A_80 = tpu.memref_slice %arg9[%run_scoped3A_66, %dma_wait3A_78, %dma_wait3A_79] : memref<2x128x128xf32, #tpu.memory_space<vmem>> -> memref<1x128x128xf32, #tpu.memory_space<vmem>>
        %dma_wait3A_81 = tpu.memref_squeeze %dma_wait3A_80 : memref<1x128x128xf32, #tpu.memory_space<vmem>> -> memref<128x128xf32, #tpu.memory_space<vmem>>
        %dma_wait3A_82 = arith.constant 0 : i32
        %dma_wait3A_83 = tpu.memref_slice %arg8[%add3A_29, %dma_wait3A_82] : memref<160x128xi32, #tpu.memory_space<vmem>> -> memref<1x128xi32, #tpu.memory_space<vmem>>
        %dma_wait3A_84 = tpu.memref_squeeze %dma_wait3A_83 : memref<1x128xi32, #tpu.memory_space<vmem>> -> memref<128xi32, #tpu.memory_space<vmem>>
        %dma_wait3A_85 = arith.constant 0 : i32
        %dma_wait3A_86 = arith.constant 0 : i32
        %dma_wait3A_87 = tpu.memref_slice %arg10[%dma_wait3A_85, %dma_wait3A_86] : memref<5248x128xf32, #tpu.memory_space<vmem_shared>> -> memref<5248x128xf32, #tpu.memory_space<vmem_shared>>
        tpu.wait_indirect_dma semaphore(%run_scoped3A_67 : memref<!tpu.dma_semaphore, #tpu.memory_space<semaphore_mem>>) src(%dma_wait3A_81 : memref<128x128xf32, #tpu.memory_space<vmem>>) dst(%dma_wait3A_87 : memref<5248x128xf32, #tpu.memory_space<vmem_shared>>)
        tpu.yield
      }) : () -> ()
    }
    %scan3A_20 = arith.constant 80 : i32
    %barrier3A_21 = arith.constant 0 : index
    tpu.barrier barrier_id(%barrier3A_21)
    %mul3A_22 = arith.constant 320 : i32
    %mul3A_23 = arith.muli %arg1, %mul3A_22 : i32
    %mul3A_24 = arith.constant 320 : i32
    %mul3A_25 = arith.muli %arg1, %mul3A_24 : i32
    "tpu.region"() ({
      %run_scoped3A = tpu.sem_alloc : memref<!tpu.dma_semaphore, #tpu.memory_space<semaphore_mem>>
      %dma_start3A_26 = arith.constant 0 : i32
      %dma_start3A_27 = tpu.memref_slice %arg6[%arg0, %mul3A_25, %dma_start3A_26] : memref<2x5120x128xf32, #tpu.memory_space<hbm>> -> memref<1x320x128xf32, #tpu.memory_space<hbm>>
      %dma_start3A_28 = tpu.memref_squeeze %dma_start3A_27 : memref<1x320x128xf32, #tpu.memory_space<hbm>> -> memref<320x128xf32, #tpu.memory_space<hbm>>
      %dma_start3A_29 = arith.constant 0 : i32
      %dma_start3A_30 = tpu.memref_slice %arg10[%mul3A_23, %dma_start3A_29] : memref<5248x128xf32, #tpu.memory_space<vmem_shared>> -> memref<320x128xf32, #tpu.memory_space<vmem_shared>>
      tpu.enqueue_dma source(%dma_start3A_30 : memref<320x128xf32, #tpu.memory_space<vmem_shared>>) target(%dma_start3A_28 : memref<320x128xf32, #tpu.memory_space<hbm>>) target_semaphore(%run_scoped3A : memref<!tpu.dma_semaphore, #tpu.memory_space<semaphore_mem>>)
      %dma_wait3A = arith.constant 0 : i32
      %dma_wait3A_31 = tpu.memref_slice %arg6[%arg0, %mul3A_25, %dma_wait3A] : memref<2x5120x128xf32, #tpu.memory_space<hbm>> -> memref<1x320x128xf32, #tpu.memory_space<hbm>>
      %dma_wait3A_32 = tpu.memref_squeeze %dma_wait3A_31 : memref<1x320x128xf32, #tpu.memory_space<hbm>> -> memref<320x128xf32, #tpu.memory_space<hbm>>
      %dma_wait3A_33 = arith.constant 0 : i32
      %dma_wait3A_34 = tpu.memref_slice %arg10[%mul3A_23, %dma_wait3A_33] : memref<5248x128xf32, #tpu.memory_space<vmem_shared>> -> memref<320x128xf32, #tpu.memory_space<vmem_shared>>
      tpu.wait_dma2 semaphore(%run_scoped3A : memref<!tpu.dma_semaphore, #tpu.memory_space<semaphore_mem>>) src(%dma_wait3A_34 : memref<320x128xf32, #tpu.memory_space<vmem_shared>>) dst(%dma_wait3A_32 : memref<320x128xf32, #tpu.memory_space<hbm>>)
      tpu.yield
    }) : () -> ()
    return
  }
}

module attributes {stable_mosaic.version = 14 : i64} {
  func.func @_dstl_body(%arg0: memref<2560x128xi32, #tpu.memory_space<vmem>>, %arg1: memref<2x2560x128xi32, #tpu.memory_space<vmem>>) attributes {dimension_semantics = [], scalar_prefetch = 0 : i64, scratch_operands = 0 : i64, tpu.core_type = #tpu.core_type<tc>} {
    %get3A = arith.constant 0 : index
    %get3A_0 = arith.constant 0 : index
    %get3A_1 = vector.load %arg0[%get3A, %get3A_0] : memref<2560x128xi32, #tpu.memory_space<vmem>>, vector<2560x128xi32>
    %ge3A = arith.constant 0 : i32
    %ge3A_2 = vector.broadcast %ge3A : i32 to vector<2560x128xi32>
    %ge3A_3 = arith.cmpi sge, %get3A_1, %ge3A_2 : vector<2560x128xi32>
    %lt3A = arith.constant 5120 : i32
    %lt3A_4 = vector.broadcast %lt3A : i32 to vector<2560x128xi32>
    %lt3A_5 = arith.cmpi slt, %get3A_1, %lt3A_4 : vector<2560x128xi32>
    %and3A = arith.andi %ge3A_3, %lt3A_5 : vector<2560x128xi1>
    %sub3A = arith.constant 0 : i32
    %sub3A_6 = vector.broadcast %sub3A : i32 to vector<2560x128xi32>
    %sub3A_7 = arith.subi %get3A_1, %sub3A_6 : vector<2560x128xi32>
    %and3A_8 = arith.constant 127 : i32
    %and3A_9 = vector.broadcast %and3A_8 : i32 to vector<2560x128xi32>
    %and3A_10 = arith.andi %get3A_1, %and3A_9 : vector<2560x128xi32>
    %add3A = arith.constant 5120 : i32
    %add3A_11 = vector.broadcast %add3A : i32 to vector<2560x128xi32>
    %add3A_12 = arith.addi %add3A_11, %and3A_10 : vector<2560x128xi32>
    %select_n3A = arith.select %and3A, %sub3A_7, %add3A_12 : vector<2560x128xi1>, vector<2560x128xi32>
    %swap3A = arith.constant 0 : index
    %swap3A_13 = arith.constant 0 : index
    %swap3A_14 = arith.constant 0 : index
    %swap3A_15 = vector.load %arg1[%swap3A, %swap3A_13, %swap3A_14] : memref<2x2560x128xi32, #tpu.memory_space<vmem>>, vector<1x2560x128xi32>
    %swap3A_16 = vector.shape_cast %swap3A_15 : vector<1x2560x128xi32> to vector<2560x128xi32>
    %swap3A_17 = vector.shape_cast %select_n3A : vector<2560x128xi32> to vector<1x2560x128xi32>
    tpu.vector_store %arg1[%swap3A, %swap3A_13, %swap3A_14], %swap3A_17 {strides = array<i32>} : memref<2x2560x128xi32, #tpu.memory_space<vmem>>, vector<1x2560x128xi32>,
    %ge3A_18 = arith.constant 5120 : i32
    %ge3A_19 = vector.broadcast %ge3A_18 : i32 to vector<2560x128xi32>
    %ge3A_20 = arith.cmpi sge, %get3A_1, %ge3A_19 : vector<2560x128xi32>
    %lt3A_21 = arith.constant 10240 : i32
    %lt3A_22 = vector.broadcast %lt3A_21 : i32 to vector<2560x128xi32>
    %lt3A_23 = arith.cmpi slt, %get3A_1, %lt3A_22 : vector<2560x128xi32>
    %and3A_24 = arith.andi %ge3A_20, %lt3A_23 : vector<2560x128xi1>
    %sub3A_25 = arith.constant 5120 : i32
    %sub3A_26 = vector.broadcast %sub3A_25 : i32 to vector<2560x128xi32>
    %sub3A_27 = arith.subi %get3A_1, %sub3A_26 : vector<2560x128xi32>
    %and3A_28 = arith.constant 127 : i32
    %and3A_29 = vector.broadcast %and3A_28 : i32 to vector<2560x128xi32>
    %and3A_30 = arith.andi %get3A_1, %and3A_29 : vector<2560x128xi32>
    %add3A_31 = arith.constant 5120 : i32
    %add3A_32 = vector.broadcast %add3A_31 : i32 to vector<2560x128xi32>
    %add3A_33 = arith.addi %add3A_32, %and3A_30 : vector<2560x128xi32>
    %select_n3A_34 = arith.select %and3A_24, %sub3A_27, %add3A_33 : vector<2560x128xi1>, vector<2560x128xi32>
    %swap3A_35 = arith.constant 1 : index
    %swap3A_36 = arith.constant 0 : index
    %swap3A_37 = arith.constant 0 : index
    %swap3A_38 = vector.load %arg1[%swap3A_35, %swap3A_36, %swap3A_37] : memref<2x2560x128xi32, #tpu.memory_space<vmem>>, vector<1x2560x128xi32>
    %swap3A_39 = vector.shape_cast %swap3A_38 : vector<1x2560x128xi32> to vector<2560x128xi32>
    %swap3A_40 = vector.shape_cast %select_n3A_34 : vector<2560x128xi32> to vector<1x2560x128xi32>
    tpu.vector_store %arg1[%swap3A_35, %swap3A_36, %swap3A_37], %swap3A_40 {strides = array<i32>} : memref<2x2560x128xi32, #tpu.memory_space<vmem>>, vector<1x2560x128xi32>,
    return
  }
}

module attributes {stable_mosaic.version = 14 : i64} {
  func.func @_mm1_body(%arg0: i32, %arg1: memref<1000x128xf32, #tpu.memory_space<vmem>>, %arg2: memref<128x128xf32, #tpu.memory_space<vmem>>, %arg3: memref<1000x128xf32, #tpu.memory_space<vmem>>, %arg4: memref<1000x128xf32, #tpu.memory_space<vmem>>) attributes {dimension_semantics = [#tpu.dimension_semantics<arbitrary>], iteration_bounds = array<i64: 10>, scalar_prefetch = 0 : i64, scratch_operands = 0 : i64, tpu.core_type = #tpu.core_type<tc>, window_params = [{transform_indices = @transform_0, window_bounds = array<i64: 1000, 128>}, {pipeline_mode = #tpu.pipeline_mode<synchronous>, transform_indices = @transform_1, window_bounds = array<i64: 128, 128>}, {transform_indices = @transform_2, window_bounds = array<i64: 1000, 128>}, {transform_indices = @transform_3, window_bounds = array<i64: 1000, 128>}]} {
    %get3A = arith.constant 0 : index
    %get3A_0 = arith.constant 0 : index
    %get3A_1 = vector.load %arg3[%get3A, %get3A_0] : memref<1000x128xf32, #tpu.memory_space<vmem>>, vector<1000x1xf32>
    %get3A_2 = vector.shape_cast %get3A_1 : vector<1000x1xf32> to vector<1000xf32>
    %add3A = arith.constant 1.000000e+00 : f32
    %add3A_3 = vector.broadcast %add3A : f32 to vector<1000xf32>
    %add3A_4 = arith.addf %get3A_2, %add3A_3 : vector<1000xf32>
    %rsqrt3A = math.rsqrt %add3A_4 : vector<1000xf32>
    %get3A_5 = arith.constant 0 : index
    %get3A_6 = arith.constant 0 : index
    %get3A_7 = vector.load %arg1[%get3A_5, %get3A_6] : memref<1000x128xf32, #tpu.memory_space<vmem>>, vector<1000x128xf32>
    %get3A_8 = arith.constant 0 : index
    %get3A_9 = arith.constant 0 : index
    %get3A_10 = vector.load %arg2[%get3A_8, %get3A_9] : memref<128x128xf32, #tpu.memory_space<vmem>>, vector<128x128xf32>
    %dot_general3A = arith.constant dense<0.000000e+00> : vector<1000x128xf32>
    %dot_general3A_11 = tpu.matmul %get3A_7, %get3A_10, %dot_general3A {dimension_numbers = #tpu.dot_dimension_numbers<[1], [0], [0], [1], [0, 0, 1, 1], [], []>, transpose_lhs_hint = false} : vector<1000x128xf32>, vector<128x128xf32>, vector<1000x128xf32> -> vector<1000x128xf32>
    %broadcast_in_dim3A = vector.shape_cast %rsqrt3A : vector<1000xf32> to vector<1000x1xf32>
    %mul3A = vector.broadcast %broadcast_in_dim3A : vector<1000x1xf32> to vector<1000x128xf32>
    %mul3A_12 = arith.mulf %dot_general3A_11, %mul3A : vector<1000x128xf32>
    %swap3A = arith.constant 0 : index
    %swap3A_13 = arith.constant 0 : index
    %swap3A_14 = vector.load %arg4[%swap3A, %swap3A_13] : memref<1000x128xf32, #tpu.memory_space<vmem>>, vector<1000x128xf32>
    tpu.vector_store %arg4[%swap3A, %swap3A_13], %mul3A_12 {strides = array<i32>} : memref<1000x128xf32, #tpu.memory_space<vmem>>, vector<1000x128xf32>,
    return
  }
  func.func @transform_0(%arg0: i32) -> (i32, i32) {
    %c0_i32 = arith.constant 0 : i32
    %c0_i32_0 = arith.constant 0 : i32
    return %arg0, %c0_i32 : i32, i32
  }
  func.func @transform_1(%arg0: i32) -> (i32, i32) {
    %c0_i32 = arith.constant 0 : i32
    %c0_i32_0 = arith.constant 0 : i32
    %c0_i32_1 = arith.constant 0 : i32
    return %c0_i32, %c0_i32_0 : i32, i32
  }
  func.func @transform_2(%arg0: i32) -> (i32, i32) {
    %c0_i32 = arith.constant 0 : i32
    %c0_i32_0 = arith.constant 0 : i32
    return %arg0, %c0_i32 : i32, i32
  }
  func.func @transform_3(%arg0: i32) -> (i32, i32) {
    %c0_i32 = arith.constant 0 : i32
    %c0_i32_0 = arith.constant 0 : i32
    return %arg0, %c0_i32 : i32, i32
  }
}

module attributes {stable_mosaic.version = 14 : i64} {
  func.func @_mm2_body(%arg0: i32, %arg1: memref<1000x128xf32, #tpu.memory_space<vmem>>, %arg2: memref<1000x128xf32, #tpu.memory_space<vmem>>, %arg3: memref<1000x128xf32, #tpu.memory_space<vmem>>, %arg4: memref<1x128xf32, #tpu.memory_space<vmem>>, %arg5: memref<128x128xf32, #tpu.memory_space<vmem>>, %arg6: memref<1000x128xf32, #tpu.memory_space<vmem>>) attributes {dimension_semantics = [#tpu.dimension_semantics<arbitrary>], iteration_bounds = array<i64: 10>, scalar_prefetch = 0 : i64, scratch_operands = 0 : i64, tpu.core_type = #tpu.core_type<tc>, window_params = [{transform_indices = @transform_0, window_bounds = array<i64: 1000, 128>}, {transform_indices = @transform_1, window_bounds = array<i64: 1000, 128>}, {transform_indices = @transform_2, window_bounds = array<i64: 1000, 128>}, {pipeline_mode = #tpu.pipeline_mode<synchronous>, transform_indices = @transform_3, window_bounds = array<i64: 1, 128>}, {pipeline_mode = #tpu.pipeline_mode<synchronous>, transform_indices = @transform_4, window_bounds = array<i64: 128, 128>}, {transform_indices = @transform_5, window_bounds = array<i64: 1000, 128>}]} {
    %get3A = arith.constant 0 : index
    %get3A_0 = arith.constant 0 : index
    %get3A_1 = vector.load %arg3[%get3A, %get3A_0] : memref<1000x128xf32, #tpu.memory_space<vmem>>, vector<1000x1xf32>
    %get3A_2 = vector.shape_cast %get3A_1 : vector<1000x1xf32> to vector<1000xf32>
    %add3A = arith.constant 1.000000e+00 : f32
    %add3A_3 = vector.broadcast %add3A : f32 to vector<1000xf32>
    %add3A_4 = arith.addf %get3A_2, %add3A_3 : vector<1000xf32>
    %rsqrt3A = math.rsqrt %add3A_4 : vector<1000xf32>
    %get3A_5 = arith.constant 0 : index
    %get3A_6 = arith.constant 0 : index
    %get3A_7 = vector.load %arg1[%get3A_5, %get3A_6] : memref<1000x128xf32, #tpu.memory_space<vmem>>, vector<1000x128xf32>
    %get3A_8 = arith.constant 0 : index
    %get3A_9 = arith.constant 0 : index
    %get3A_10 = vector.load %arg2[%get3A_8, %get3A_9] : memref<1000x128xf32, #tpu.memory_space<vmem>>, vector<1000x128xf32>
    %add3A_11 = arith.addf %get3A_7, %get3A_10 : vector<1000x128xf32>
    %broadcast_in_dim3A = vector.shape_cast %rsqrt3A : vector<1000xf32> to vector<1000x1xf32>
    %mul3A = vector.broadcast %broadcast_in_dim3A : vector<1000x1xf32> to vector<1000x128xf32>
    %mul3A_12 = arith.mulf %add3A_11, %mul3A : vector<1000x128xf32>
    %get3A_13 = arith.constant 0 : index
    %get3A_14 = arith.constant 0 : index
    %get3A_15 = vector.load %arg4[%get3A_13, %get3A_14] : memref<1x128xf32, #tpu.memory_space<vmem>>, vector<1x128xf32>
    %add3A_16 = vector.broadcast %get3A_15 : vector<1x128xf32> to vector<1000x128xf32>
    %add3A_17 = arith.addf %mul3A_12, %add3A_16 : vector<1000x128xf32>
    %max3A = arith.constant 0.000000e+00 : f32
    %max3A_18 = vector.broadcast %max3A : f32 to vector<1000x128xf32>
    %max3A_19 = arith.maximumf %add3A_17, %max3A_18 : vector<1000x128xf32>
    %get3A_20 = arith.constant 0 : index
    %get3A_21 = arith.constant 0 : index
    %get3A_22 = vector.load %arg5[%get3A_20, %get3A_21] : memref<128x128xf32, #tpu.memory_space<vmem>>, vector<128x128xf32>
    %dot_general3A = arith.constant dense<0.000000e+00> : vector<1000x128xf32>
    %dot_general3A_23 = tpu.matmul %max3A_19, %get3A_22, %dot_general3A {dimension_numbers = #tpu.dot_dimension_numbers<[1], [0], [0], [1], [0, 0, 1, 1], [], []>, transpose_lhs_hint = false} : vector<1000x128xf32>, vector<128x128xf32>, vector<1000x128xf32> -> vector<1000x128xf32>
    %broadcast_in_dim3A_24 = vector.shape_cast %rsqrt3A : vector<1000xf32> to vector<1000x1xf32>
    %mul3A_25 = vector.broadcast %broadcast_in_dim3A_24 : vector<1000x1xf32> to vector<1000x128xf32>
    %mul3A_26 = arith.mulf %dot_general3A_23, %mul3A_25 : vector<1000x128xf32>
    %swap3A = arith.constant 0 : index
    %swap3A_27 = arith.constant 0 : index
    %swap3A_28 = vector.load %arg6[%swap3A, %swap3A_27] : memref<1000x128xf32, #tpu.memory_space<vmem>>, vector<1000x128xf32>
    tpu.vector_store %arg6[%swap3A, %swap3A_27], %mul3A_26 {strides = array<i32>} : memref<1000x128xf32, #tpu.memory_space<vmem>>, vector<1000x128xf32>,
    return
  }
  func.func @transform_0(%arg0: i32) -> (i32, i32) {
    %c0_i32 = arith.constant 0 : i32
    %c0_i32_0 = arith.constant 0 : i32
    return %arg0, %c0_i32 : i32, i32
  }
  func.func @transform_1(%arg0: i32) -> (i32, i32) {
    %c0_i32 = arith.constant 0 : i32
    %c0_i32_0 = arith.constant 0 : i32
    return %arg0, %c0_i32 : i32, i32
  }
  func.func @transform_2(%arg0: i32) -> (i32, i32) {
    %c0_i32 = arith.constant 0 : i32
    %c0_i32_0 = arith.constant 0 : i32
    return %arg0, %c0_i32 : i32, i32
  }
  func.func @transform_3(%arg0: i32) -> (i32, i32) {
    %c0_i32 = arith.constant 0 : i32
    %c0_i32_0 = arith.constant 0 : i32
    %c0_i32_1 = arith.constant 0 : i32
    return %c0_i32, %c0_i32_0 : i32, i32
  }
  func.func @transform_4(%arg0: i32) -> (i32, i32) {
    %c0_i32 = arith.constant 0 : i32
    %c0_i32_0 = arith.constant 0 : i32
    %c0_i32_1 = arith.constant 0 : i32
    return %c0_i32, %c0_i32_0 : i32, i32
  }
  func.func @transform_5(%arg0: i32) -> (i32, i32) {
    %c0_i32 = arith.constant 0 : i32
    %c0_i32_0 = arith.constant 0 : i32
    return %arg0, %c0_i32 : i32, i32
  }
}

module attributes {stable_mosaic.version = 14 : i64} {
  func.func @_fin_body(%arg0: i32, %arg1: memref<1000x128xf32, #tpu.memory_space<vmem>>, %arg2: memref<1000x128xf32, #tpu.memory_space<vmem>>, %arg3: memref<1000x128xf32, #tpu.memory_space<vmem>>, %arg4: memref<1x128xf32, #tpu.memory_space<vmem>>, %arg5: memref<1000x128xf32, #tpu.memory_space<vmem>>) attributes {dimension_semantics = [#tpu.dimension_semantics<arbitrary>], iteration_bounds = array<i64: 10>, scalar_prefetch = 0 : i64, scratch_operands = 0 : i64, tpu.core_type = #tpu.core_type<tc>, window_params = [{transform_indices = @transform_0, window_bounds = array<i64: 1000, 128>}, {transform_indices = @transform_1, window_bounds = array<i64: 1000, 128>}, {transform_indices = @transform_2, window_bounds = array<i64: 1000, 128>}, {pipeline_mode = #tpu.pipeline_mode<synchronous>, transform_indices = @transform_3, window_bounds = array<i64: 1, 128>}, {transform_indices = @transform_4, window_bounds = array<i64: 1000, 128>}]} {
    %get3A = arith.constant 0 : index
    %get3A_0 = arith.constant 0 : index
    %get3A_1 = vector.load %arg3[%get3A, %get3A_0] : memref<1000x128xf32, #tpu.memory_space<vmem>>, vector<1000x1xf32>
    %get3A_2 = vector.shape_cast %get3A_1 : vector<1000x1xf32> to vector<1000xf32>
    %add3A = arith.constant 1.000000e+00 : f32
    %add3A_3 = vector.broadcast %add3A : f32 to vector<1000xf32>
    %add3A_4 = arith.addf %get3A_2, %add3A_3 : vector<1000xf32>
    %rsqrt3A = math.rsqrt %add3A_4 : vector<1000xf32>
    %get3A_5 = arith.constant 0 : index
    %get3A_6 = arith.constant 0 : index
    %get3A_7 = vector.load %arg1[%get3A_5, %get3A_6] : memref<1000x128xf32, #tpu.memory_space<vmem>>, vector<1000x128xf32>
    %get3A_8 = arith.constant 0 : index
    %get3A_9 = arith.constant 0 : index
    %get3A_10 = vector.load %arg2[%get3A_8, %get3A_9] : memref<1000x128xf32, #tpu.memory_space<vmem>>, vector<1000x128xf32>
    %add3A_11 = arith.addf %get3A_7, %get3A_10 : vector<1000x128xf32>
    %broadcast_in_dim3A = vector.shape_cast %rsqrt3A : vector<1000xf32> to vector<1000x1xf32>
    %mul3A = vector.broadcast %broadcast_in_dim3A : vector<1000x1xf32> to vector<1000x128xf32>
    %mul3A_12 = arith.mulf %add3A_11, %mul3A : vector<1000x128xf32>
    %get3A_13 = arith.constant 0 : index
    %get3A_14 = arith.constant 0 : index
    %get3A_15 = vector.load %arg4[%get3A_13, %get3A_14] : memref<1x128xf32, #tpu.memory_space<vmem>>, vector<1x128xf32>
    %add3A_16 = vector.broadcast %get3A_15 : vector<1x128xf32> to vector<1000x128xf32>
    %add3A_17 = arith.addf %mul3A_12, %add3A_16 : vector<1000x128xf32>
    %swap3A = arith.constant 0 : index
    %swap3A_18 = arith.constant 0 : index
    %swap3A_19 = vector.load %arg5[%swap3A, %swap3A_18] : memref<1000x128xf32, #tpu.memory_space<vmem>>, vector<1000x128xf32>
    tpu.vector_store %arg5[%swap3A, %swap3A_18], %add3A_17 {strides = array<i32>} : memref<1000x128xf32, #tpu.memory_space<vmem>>, vector<1000x128xf32>,
    return
  }
  func.func @transform_0(%arg0: i32) -> (i32, i32) {
    %c0_i32 = arith.constant 0 : i32
    %c0_i32_0 = arith.constant 0 : i32
    return %arg0, %c0_i32 : i32, i32
  }
  func.func @transform_1(%arg0: i32) -> (i32, i32) {
    %c0_i32 = arith.constant 0 : i32
    %c0_i32_0 = arith.constant 0 : i32
    return %arg0, %c0_i32 : i32, i32
  }
  func.func @transform_2(%arg0: i32) -> (i32, i32) {
    %c0_i32 = arith.constant 0 : i32
    %c0_i32_0 = arith.constant 0 : i32
    return %arg0, %c0_i32 : i32, i32
  }
  func.func @transform_3(%arg0: i32) -> (i32, i32) {
    %c0_i32 = arith.constant 0 : i32
    %c0_i32_0 = arith.constant 0 : i32
    %c0_i32_1 = arith.constant 0 : i32
    return %c0_i32, %c0_i32_0 : i32, i32
  }
  func.func @transform_4(%arg0: i32) -> (i32, i32) {
    %c0_i32 = arith.constant 0 : i32
    %c0_i32_0 = arith.constant 0 : i32
    return %arg0, %c0_i32 : i32, i32
  }
}

</mosaic_0001>

<sc_bundles>
// kernel: kernel.12.cloned.1.call-start
scs
__scs_entry_jumppad:
0x0: {  	(pc) =	sbr.rel $0x88, $3  }
0x1: {  	(tag) =	ssettag $0x0;
	lr =	simm.s32 $0x1  }
0x2: {  	[smem:$0x3F9B] =	sst lr;
	_ =	strace $0xD0000000  }
0x3: {  	_ = 	snop  }
0x4: {  	_ = 	snop  }
0x5: {  	_ = 	snop  }
0x6: {  	_ = 	snop  }
0x7: {  	_ = 	snop  }
__scs_overlays_trampoline_lowered:
0x8: {  	[smem:$0x3FAA] =	sst s0  }
0x9: {  	[smem:$0x3FAB] =	sst s1  }
0xa: {  	[smem:$0x3FAC] =	sst s2  }
0xb: {  	[smem:$0x3FAD] =	sst s3  }
0xc: {  	[smem:$0x3FAE] =	sst s4  }
0xd: {  	[smem:$0x3FAF] =	sst s5  }
0xe: {  	[smem:$0x3FB0] =	sst s6  }
0xf: {  	[smem:$0x3FB1] =	sst s7  }
0x10: {  	[smem:$0x3FB2] =	sst s8  }
0x11: {  	[smem:$0x3FB3] =	sst s9;
	s0 =	simm.s32 @!p0 $0x0  }
0x12: {  	s1 =	sld [smem:$0x3F99];
	s0 =	simm.s32 @p0 $0x1  }
0x13: {  	[smem:$0x3FB4] =	sst s0;
	s0 =	simm.s32 @!p1 $0x0  }
0x14: {  	s2 =	sld [smem:$0x3F98];
	s0 =	simm.s32 @p1 $0x1  }
0x15: {  	[smem:$0x3FB5] =	sst s0;
	s0 =	simm.s32 @!p2 $0x0  }
0x16: {  	s3 =	sld [smem:$0x3FDB];
	s0 =	simm.s32 @p2 $0x1  }
0x17: {  	s4 =	simm.s32 $0x1BF5;
	[smem:$0x3FB7] =	sst s0  }
0x18: {  	s0 =	sld [smem:$0x3F9A];
	_ =	swait.ge [sflag:s4], $0x0  }
0x19: {  	s7 =	sld [smem:$0x3F9B]  }
0x1a: {  	s8 =	sadd.s32 $0xFFFFE003, lr  }
0x1b: {  	s9 =	sadd.s32 $0xFFFFFEF7, lr;
	s5 =	simm.s32 $0xFFFFFFFF;
	p2 =	slt.u32 s8, $0xFFFFF086  }
0x1c: {  	p1 =	slt.u32 s9, $0xF7A;
	s5 =	simm.s32 @!p2 $0x0  }
0x1d: {  	s5 =	simm.s32 @p1 $0x1;
	p0 =	seq.s32 s7, s2  }
0x1e: {  	s7 =	smul.u32 @!p0 $0xF7A, s2;
	p2 =	seq.s32 @!p0 s5, $0x0  }
0x1f: {  	s9 =	smul.u32 $0xF7A, s1;
	s8 =	simm.s32 @!p0 $0x1BF5;
	p2 =	por !p2, p0  }
0x20: {  	[sflag:s8] =	ssyncset.s32 @!p0 $0xFFFFF086;
	s6 =	sadd.s32 @!p0 s3, s7;
	s7 =	simm.s32 @!p0 $0x108  }
0x21: {  	s3 =	sadd.s32 s3, s9;
	s6 =	sadd.s32 @!p0 $0x88, s6;
	s7 =	simm.s32 @p2 $0x1082  }
0x22: {  	[simem:s7], [sflag:s8] =	dma.local @!p0 [hbm:s6], $0xF7A  }
0x23: {  	s9 =	sor.u32 $0xD0000000, s2;
	s6 =	simm.s32 $0x108;
	_ =	swait.ge @!p0 [sflag:s8], $0x0  }
0x24: {  	s3 =	sadd.s32 $0x88, s3;
	s6 =	simm.s32 @!p1 $0x1082;
	[sflag:s4] =	ssyncset.s32 $0xFFFFF086  }
0x25: {  	[simem:s6], [sflag:s4] =	dma.local [hbm:s3], $0xF7A  }
0x26: {  	[smem:$0x3F9B] =	sst s1;
	(tag) =	ssettag s2;
	_ =	strace s9  }
0x27: {  	s1 =	sld [smem:$0x3FAB]  }
0x28: {  	s2 =	sld [smem:$0x3FAC]  }
0x29: {  	s4 =	sld [smem:$0x3FAE]  }
0x2a: {  	p0 =	seq.s32 s5, $0x0;
	s5 =	sld [smem:$0x3FAF]  }
0x2b: {  	s6 =	sld [smem:$0x3FB0]  }
0x2c: {  	s7 =	sld [smem:$0x3FB1]  }
0x2d: {  	s3 =	simm.s32 $0x108;
	s8 =	sld [smem:$0x3FB2]  }
0x2e: {  	s3 =	simm.s32 @!p0 $0x1082;
	s9 =	sld [smem:$0x3FB3]  }
0x2f: {  	lr =	sadd.s32 s0, s3;
	s0 =	sld [smem:$0x3FAA]  }
0x30: {  	s3 =	sld [smem:$0x3FAD]  }
0x31: {  	[smem:$0x3FB6] =	sst s10  }
0x32: {  	s10 =	sld [smem:$0x3FB4];
	_ =	sdelay $0x3  }
0x33: {  	p0 =	seq.s32 s10, $0x1;
	s10 =	sld [smem:$0x3FB6];
	_ =	sdelay $0x3  }
0x34: {  	[smem:$0x3FB6] =	sst s10  }
0x35: {  	s10 =	sld [smem:$0x3FB5];
	_ =	sdelay $0x3  }
0x36: {  	p1 =	seq.s32 s10, $0x1;
	s10 =	sld [smem:$0x3FB6];
	_ =	sdelay $0x3  }
0x37: {  	[smem:$0x3FB6] =	sst s10  }
0x38: {  	s10 =	sld [smem:$0x3FB7]  }
0x39: {  	_ = 	snop;
	(pc) =	sbr.ind lr, $3  }
0x3a: {  	_ = 	snop  }
0x3b: {  	_ = 	snop  }
0x3c: {  	p2 =	seq.s32 s10, $0x1;
	s10 =	sld [smem:$0x3FB6]  }
0x3d: {  	_ =	shalt  }
0x3e: {  	_ =	shalt  }
0x3f: {  	_ =	shalt  }
0x40: {  	_ =	shalt  }
0x41: {  	_ =	shalt  }
0x42: {  	_ =	shalt  }
0x43: {  	_ =	shalt  }
0x44: {  	_ =	shalt  }
0x45: {  	_ =	shalt  }
0x46: {  	_ =	shalt  }
0x47: {  	_ =	shalt  }
0x48: {  	_ =	shalt  }
0x49: {  	_ =	shalt  }
0x4a: {  	_ =	shalt  }
0x4b: {  	_ =	shalt  }
0x4c: {  	_ =	shalt  }
0x4d: {  	_ =	shalt  }
0x4e: {  	_ =	shalt  }
0x4f: {  	_ =	shalt  }
0x50: {  	_ =	shalt  }
0x51: {  	_ =	shalt  }
0x52: {  	_ =	shalt  }
0x53: {  	_ =	shalt  }
0x54: {  	_ =	shalt  }
0x55: {  	_ =	shalt  }
0x56: {  	_ =	shalt  }
0x57: {  	_ =	shalt  }
0x58: {  	_ =	shalt  }
0x59: {  	_ =	shalt  }
0x5a: {  	_ =	shalt  }
0x5b: {  	_ =	shalt  }
0x5c: {  	_ =	shalt  }
0x5d: {  	_ =	shalt  }
0x5e: {  	_ =	shalt  }
0x5f: {  	_ =	shalt  }
0x60: {  	_ =	shalt  }
0x61: {  	_ =	shalt  }
0x62: {  	_ =	shalt  }
0x63: {  	_ =	shalt  }
0x64: {  	_ =	shalt  }
0x65: {  	_ =	shalt  }
0x66: {  	_ =	shalt  }
0x67: {  	_ =	shalt  }
0x68: {  	_ =	shalt  }
0x69: {  	_ =	shalt  }
0x6a: {  	_ =	shalt  }
0x6b: {  	_ =	shalt  }
0x6c: {  	_ =	shalt  }
0x6d: {  	_ =	shalt  }
0x6e: {  	_ =	shalt  }
0x6f: {  	_ =	shalt  }
0x70: {  	_ =	shalt  }
0x71: {  	_ =	shalt  }
0x72: {  	_ =	shalt  }
0x73: {  	_ =	shalt  }
0x74: {  	_ =	shalt  }
0x75: {  	_ =	shalt  }
0x76: {  	_ =	shalt  }
0x77: {  	_ =	shalt  }
0x78: {  	_ =	shalt  }
0x79: {  	_ =	shalt  }
0x7a: {  	_ =	shalt  }
0x7b: {  	_ =	shalt  }
0x7c: {  	_ =	shalt  }
0x7d: {  	_ =	shalt  }
0x7e: {  	_ =	shalt  }
0x7f: {  	_ =	shalt  }
0x80: {  	_ =	shalt  }
0x81: {  	_ =	shalt  }
0x82: {  	_ =	shalt  }
0x83: {  	_ =	shalt  }
0x84: {  	_ =	shalt  }
0x85: {  	_ =	shalt  }
0x86: {  	_ =	shalt  }
0x87: {  	_ =	shalt  }
.Lfunc_end0:
.L_simem_size_0:
called_computation.1_lowered:
.L_overlay_start_0:
0x88: {  	s2 =	sld [smem:$0x3FD9]  }
0x89: {  	s3 =	sld [smem:$0x3FFE];
	_ =	sdelay $0x1  }
0x8a: {  	s1 =	srdreg.scid  }
0x8b: {  	s0 =	sand.u32 $0x1, s1  }
0x8c: {  	s17 =	sshll.u32 s0, $0xA;
	s2 =	sadd.s32 s3, s2  }
0x8d: {  	s2 =	sadd.s32 s2, s17  }
0x8e: {  	[smem:$0x3FC2] =	sst s2  }
0x8f: {  	_ = 	snop  }
0x90: {  	s2 =	sld [smem:$0x3FD0];
	(tm) =	ssettm $0x1  }
0x91: {  	s18 =	sld [smem:$0x3FFB];
	_ =	sdelay $0x3  }
0x92: {  	_ =	strace s18  }
0x93: {  	s3 =	sld [smem:$0x3FFC];
	_ =	sdelay $0x3  }
0x94: {  	_ =	strace s3  }
0x95: {  	s3 =	sld [smem:$0x3FFD];
	_ =	sdelay $0x3  }
0x96: {  	_ =	strace s3  }
0x97: {  	_ =	strace $0x8FFFFFFF  }
0x98: {  	s19 =	sld [smem:$0x3FDB];
	_ =	sdelay $0x1  }
0x99: {  	s4 =	simm.s32 $_scs_section_size  }
0x9a: {  	s5 =	simm.s32 $_size__tile_overlayer_lowered;
	s6 =	simm.s32 $_tile_overlayer_lowered  }
0x9b: {  	s22 =	simm.s32 $0x1BFF;
	s21 =	sshll.u32 s6, $0x1;
	s3 =	sadd.s32 s4, s19  }
0x9c: {  	s7 =	simm.s32 $0x0;
	s20 =	sshll.u32 s5, $0x1;
	s5 =	sadd.s32 s21, s3  }
0x9d: {  	[timem:s7], [sflag:s22] =	dma.local [hbm:s5], s20  }
0x9e: {  	_ =	swait.ge [sflag:s22], s20  }
0x9f: {  	s4 =	ssub.s32 $0x0, s20;
	[sflag:s22] =	ssyncset.done $0x0  }
0xa0: {  	[sflag:s22] =	ssyncadd.s32 s4;
	_ =	sdelay $0x1  }
0xa1: {  	s23 =	simm.s32 $0x1B8B  }
0xa2: {  	_ =	swait.ge [sflag:s23], $0x1  }
0xa3: {  	[sflag:s23] =	ssyncset.done $0x0  }
0xa4: {  	s25 =	simm.s32 $0x1B8E;
	s24 =	sld [smem:$0x3FFE];
	[sflag:s23] =	ssyncadd.s32 $0xFFFFFFFF  }
0xa5: {  	s26 =	simm.s32 $execute0_lowered;
	[smem:$0x3FD2] =	sst s25  }
0xa6: {  	s5 =	sshll.u32 s26, $0x1;
	_ =	strace $0x80000049;
	[dreg:$0x1] =	wrdreg $0xFFFFFFFF  }
0xa7: {  	s28 =	simm.s32 $_size_execute0_lowered;
	s3 =	sadd.s32 s3, s5;
	[dreg:$0x0] =	wrdreg $0x0  }
0xa8: {  	s5 =	sshll.u32 s28, $0x1;
	[dreg:$0x2] =	wrdreg s3  }
0xa9: {  	[dreg:$0x3] =	wrdreg s5  }
0xaa: {  	[dreg:$0x4] =	wrdreg $0xC0  }
0xab: {  	_ =	task [dreg:s7], $0x5FFFF  }
0xac: {  	[dreg:$0x1] =	wrdreg $0xFFFFFFFF  }
0xad: {  	[dreg:$0x0] =	wrdreg $0x60  }
0xae: {  	[dreg:$0x2] =	wrdreg s2  }
0xaf: {  	[dreg:$0x3] =	wrdreg s24  }
0xb0: {  	[dreg:$0x4] =	wrdreg $0x120000  }
0xb1: {  	[dreg:$0x5] =	wrdreg $0x9  }
0xb2: {  	_ =	task.clear_ibuf [dreg:s7], $0x6FFFF;
	_ =	strace $0x90000049  }
0xb3: {  	s29 =	simm.s32 $0x9;
	_ =	strace $0x8000004B  }
0xb4: {  	_ =	swait.ge [sflag:s29], $0x1  }
0xb5: {  	[sflag:s29] =	ssyncadd.s32 $0xFFFFFFFF  }
0xb6: {  	_ =	strace $0x9000004B  }
0xb7: {  	_ =	sfence  }
0xb8: {  	s30 =	sld [smem:$0x0];
	_ =	sdelay $0x2  }
0xb9: {  	s31 =	sshll.u32 s1, $0xD;
	s1 =	sshrl.u32 s1, $0x2  }
0xba: {  	s3 =	sand.u32 $0x4000, s31;
	s1 =	sadd.s32 s1, s30  }
0xbb: {  	s0 =	sor.u32 s3, s0;
	s1 =	sshll.u32 s1, $0x11  }
0xbc: {  	s0 =	sor.u32 s1, s0  }
0xbd: {  	s0 =	sadd.s32 $0x8F2B, s0  }
0xbe: {  	[sflag:s0] =	ssyncadd.remote.s32 $0x1  }
0xbf: {  	_ =	sfence.sel $0xFFFF  }
0xc0: {  	[dreg:$0x0] =	wrdreg $0xFFFFFFFF;
	(pc) =	sbr.abs _section_cstart, $3  }
0xc1: {  	[dreg:$0x1] =	wrdreg $0xFFFFFFFF  }
0xc2: {  	_ =	task.clear_ibuf [dreg:s7], $0x2FFFF;
	_ =	strace $0x9FFFFFFF  }
0xc3: {  	(tm) =	ssettm $0x7FFFFFFF  }
tec
execute0_lowered:
.L_overlay_start_1:
0x0: {  	(tag) =	ssettag $0x1  }
0x1: {  	s1 =	rddreg [dreg:$0x0]  }
0x2: {  	s6 =	rddreg [dreg:$0x1];
	s0 =	stileid.u32  }
0x3: {  	s2 =	srdreg.scid;
	s3 =	rddreg [dreg:$0x2];
	s4 =	simm.s32 $0x0  }
0x4: {  	s16 =	simm.s32 $0xE000;
	s17 =	simm.s32 $0x1;
	s5 =	smul.u32 $0x5000, s0  }
0x5: {  	s18 =	simm.s32 $0x2;
	s19 =	simm.s32 $0x4F80;
	s24 =	smul.u32 $0xA000, s0  }
0x6: {  	s20 =	simm.s32 $0x9F00;
	s21 =	simm.s32 $0x9F80;
	s12 =	smul.u32 $0x29000, s0  }
0x7: {  	s7 =	sand.u32 $0x1, s2;
	s2 =	rddreg [dreg:$0x3];
	s30 =	smul.u32 $0x28000, s0  }
0x8: {  	s23 =	simm.s32 $0x0;
	[smem:$0x7FF] =	sst s4;
	s8 =	smul.u32 $0x50000, s7  }
0x9: {  	s29 =	sshll.u32 s0, $0x6;
	s9 =	smul.u32 $0xA0000, s7;
	s7 =	ssub.s32 $0x2, s7  }
0xa: {  	_ =	strace $0x8000004A;
	s10 =	sshrl.u32 s5, $0x3;
	s26 =	sshrl.u32 s7, $0x1  }
0xb: {  	s28 =	sshrl.u32 s12, $0x2;
	s31 =	sshrl.u32 s30, $0x2;
	s12 =	simm.s32 $0x3  }
0xc: {  	s5 =	sadd.s32 s5, s8;
	s10 =	sadd.s32 s10, s6;
	s25 =	sadd.s32 s24, s9  }
0xd: {  	s14 =	ssub.s32 s7, s26;
	s15 =	sadd.s32 s28, s3;
	s22 =	sadd.s32 s31, s3  }
0xe: {  	s5 =	sshrl.u32 s5, $0x3;
	s8 =	sshrl.u32 s25, $0x3;
	s7 =	sadd.s32 $0x2000, s10  }
0xf: {  	s10 =	smax.u32 s14, $0x1;
	s14 =	simm.s32 $0x80;
	s22 =	sshrl.u32 s22, $0x3  }
0x10: {  	s11 =	sadd.s32 s5, s6;
	s5 =	sadd.s32 $0x20000, s6;
	s13 =	sadd.s32 s8, s6  }
0x11: {  	s6 =	sor.u32 $0x1C03, s29;
	s8 =	sadd.s32 $0xC000, s11;
	s9 =	sadd.s32 $0x21600, s13  }
0x12: {  	s11 =	sshrl.u32 s15, $0x3;
	s13 =	simm.s32 $0x5000;
	s15 =	simm.s32 $0xA000  }
.LBB2_1:
0x13: {  	[spmem:s11], [sflag:s6] =	dma.local [hbm:s5], $0x1480  }
0x14: {  	_ =	swait.ge [sflag:s12], $0x1480  }
0x15: {  	[sflag:s12] =	ssyncset.done $0x0  }
0x16: {  	[sflag:s12] =	ssyncadd.s32 $0xFFFFEB80  }
0x17: {  	[tilespmem:s4], [sflag:$0x3] =	stream.linear.gather [hbm4b:s7+s4], $0x5000, $0x38;
	[tilespmem:$0x1C400] =	vst v63  }
0x18: {  	_ =	swait.ge [sflag:s12], $0x5000  }
0x19: {  	[sflag:s12] =	ssyncset.done $0x0  }
0x1a: {  	[sflag:s12] =	ssyncadd.s32 $0xFFFFB000  }
0x1b: {  	[tilespmem:s13], [sflag:$0x3] =	stream.linear.gather [hbm4b:s8+s4], $0x5000, $0x38;
	[tilespmem:$0x1C400] =	vst v63  }
0x1c: {  	_ =	swait.ge [sflag:s12], $0x5000  }
0x1d: {  	[sflag:s12] =	ssyncset.done $0x0  }
0x1e: {  	[sflag:s12] =	ssyncadd.s32 $0xFFFFB000  }
0x1f: {  	[bflag:$0x0] =	sbarrier.arrive $0xFFFF  }
0x20: {  	[tilespmem:s15], [sflag:$0x1] =	stream.indirect.gather [hbm4b:s1+s14], $0x80, s4, s14, $0xb8;
	[tilespmem:$0x1C400] =	vst v63  }
0x21: {  	s24 =	simm.s32 $0x80  }
0x22: {  	[tilespmem:s16], [sflag:$0x2] =	stream.indirect.gather [hbm4b:s1+s14], $0x80, s24, s14, $0xb8;
	[tilespmem:$0x1C400] =	vst v63  }
0x23: {  	_ =	swait.ge [sflag:s17], $0x4000  }
0x24: {  	[sflag:s17] =	ssyncset.done $0x0  }
0x25: {  	s29 =	simm.s32 $0x5000;
	[sflag:s17] =	ssyncadd.s32 $0xFFFFC000  }
0x26: {  	[spmem:s3] =	stream.indirect.scatter.add.f32 [tilespmem:s15], [sflag:$0x3], $0x80, s29, s14, $0xb8;
	[tilespmem:$0x1C400] =	vst v63  }
0x27: {  	_ =	swait.ge [sflag:s12], $0x4000  }
0x28: {  	[sflag:s12] =	ssyncset.done $0x0  }
0x29: {  	s30 =	simm.s32 $0x100;
	[sflag:s12] =	ssyncadd.s32 $0xFFFFC000  }
0x2a: {  	[tilespmem:s15], [sflag:$0x1] =	stream.indirect.gather [hbm4b:s1+s14], $0x80, s30, s14, $0xb8;
	[tilespmem:$0x1C400] =	vst v63  }
0x2b: {  	_ =	swait.ge [sflag:s18], $0x4000  }
0x2c: {  	[sflag:s18] =	ssyncset.done $0x0  }
0x2d: {  	s31 =	simm.s32 $0x5080;
	[sflag:s18] =	ssyncadd.s32 $0xFFFFC000  }
0x2e: {  	[spmem:s3] =	stream.indirect.scatter.add.f32 [tilespmem:s16], [sflag:$0x3], $0x80, s31, s14, $0xb8;
	[tilespmem:$0x1C400] =	vst v63  }
0x2f: {  	_ =	swait.ge [sflag:s12], $0x4000  }
0x30: {  	s25 =	simm.s32 $0x800;
	s24 =	simm.s32 $0x100;
	[sflag:s12] =	ssyncset.done $0x0  }
.LBB2_2:
0x31: {  	s26 =	sadd.s32 $0x80, s24  }
0x32: {  	[sflag:s12] =	ssyncadd.s32 $0xFFFFC000;
	s28 =	smov.u32 s25;
	s29 =	sadd.s32 $0x400, s25  }
0x33: {  	[tilespmem:s16], [sflag:$0x2] =	stream.indirect.gather [hbm4b:s1+s14], $0x80, s26, s14, $0xb8;
	[tilespmem:$0x1C400] =	vst v63  }
0x34: {  	p0 =	sne.s32 s25, $0x13800;
	_ =	swait.ge [sflag:s17], $0x4000  }
0x35: {  	[sflag:s17] =	ssyncset.done $0x0  }
0x36: {  	s25 =	sadd.s32 $0x5000, s24;
	[sflag:s17] =	ssyncadd.s32 $0xFFFFC000  }
0x37: {  	[spmem:s3] =	stream.indirect.scatter.add.f32 [tilespmem:s15], [sflag:$0x3], $0x80, s25, s14, $0xb8;
	[tilespmem:$0x1C400] =	vst v63  }
0x38: {  	_ =	swait.ge [sflag:s12], $0x4000  }
0x39: {  	[sflag:s12] =	ssyncset.done $0x0  }
0x3a: {  	s25 =	sadd.s32 $0x100, s24;
	[sflag:s12] =	ssyncadd.s32 $0xFFFFC000  }
0x3b: {  	[tilespmem:s15], [sflag:$0x1] =	stream.indirect.gather [hbm4b:s1+s14], $0x80, s25, s14, $0xb8;
	[tilespmem:$0x1C400] =	vst v63  }
0x3c: {  	_ =	swait.ge [sflag:s18], $0x4000  }
.Ltmp0:
0x3d: {  	[sflag:s18] =	ssyncset.done $0x0;
	(pc) =	sbr.rel @p0 .LBB2_2-.Ltmp0, $4  }
0x3e: {  	s24 =	sadd.s32 $0x5080, s24;
	[sflag:s18] =	ssyncadd.s32 $0xFFFFC000  }
0x3f: {  	[spmem:s3] =	stream.indirect.scatter.add.f32 [tilespmem:s16], [sflag:$0x3], $0x80, s24, s14, $0xb8;
	[tilespmem:$0x1C400] =	vst v63  }
0x40: {  	_ =	swait.ge [sflag:s12], $0x4000  }
0x41: {  	s25 =	smov.u32 s29;
	s24 =	sshra.s32 s28, $0x2;
	[sflag:s12] =	ssyncset.done $0x0  }
0x42: {  	s25 =	sadd.s32 $0x80, s24;
	[sflag:s12] =	ssyncadd.s32 $0xFFFFC000  }
0x43: {  	[tilespmem:s16], [sflag:$0x2] =	stream.indirect.gather [hbm4b:s1+s14], $0x80, s25, s14, $0xb8;
	[tilespmem:$0x1C400] =	vst v63  }
0x44: {  	_ =	swait.ge [sflag:s17], $0x4000  }
0x45: {  	[sflag:s17] =	ssyncset.done $0x0  }
0x46: {  	s29 =	sadd.s32 $0x5000, s24;
	[sflag:s17] =	ssyncadd.s32 $0xFFFFC000  }
0x47: {  	[spmem:s3] =	stream.indirect.scatter.add.f32 [tilespmem:s15], [sflag:$0x3], $0x80, s29, s14, $0xb8;
	[tilespmem:$0x1C400] =	vst v63  }
0x48: {  	_ =	swait.ge [sflag:s12], $0x4000  }
0x49: {  	[sflag:s12] =	ssyncset.done $0x0  }
0x4a: {  	s30 =	sadd.s32 $0x100, s24;
	[sflag:s12] =	ssyncadd.s32 $0xFFFFC000  }
0x4b: {  	[tilespmem:s15], [sflag:$0x1] =	stream.indirect.gather [hbm4b:s1+s14], $0x80, s30, s14, $0xb8;
	[tilespmem:$0x1C400] =	vst v63  }
0x4c: {  	_ =	swait.ge [sflag:s18], $0x4000  }
0x4d: {  	[sflag:s18] =	ssyncset.done $0x0  }
0x4e: {  	s31 =	sadd.s32 $0x5080, s24;
	[sflag:s18] =	ssyncadd.s32 $0xFFFFC000  }
0x4f: {  	[spmem:s3] =	stream.indirect.scatter.add.f32 [tilespmem:s16], [sflag:$0x3], $0x80, s31, s14, $0xb8;
	[tilespmem:$0x1C400] =	vst v63  }
0x50: {  	_ =	swait.ge [sflag:s12], $0x4000  }
0x51: {  	[sflag:s12] =	ssyncset.done $0x0  }
0x52: {  	[sflag:s12] =	ssyncadd.s32 $0xFFFFC000  }
0x53: {  	[tilespmem:s16], [sflag:$0x2] =	stream.indirect.gather [hbm4b:s1+s14], $0x80, s19, s14, $0xb8;
	[tilespmem:$0x1C400] =	vst v63  }
0x54: {  	_ =	swait.ge [sflag:s17], $0x4000  }
0x55: {  	[sflag:s17] =	ssyncset.done $0x0  }
0x56: {  	[sflag:s17] =	ssyncadd.s32 $0xFFFFC000  }
0x57: {  	[spmem:s3] =	stream.indirect.scatter.add.f32 [tilespmem:s15], [sflag:$0x3], $0x80, s20, s14, $0xb8;
	[tilespmem:$0x1C400] =	vst v63  }
0x58: {  	_ =	swait.ge [sflag:s12], $0x4000  }
0x59: {  	[sflag:s12] =	ssyncset.done $0x0  }
0x5a: {  	[sflag:s12] =	ssyncadd.s32 $0xFFFFC000  }
0x5b: {  	_ =	swait.ge [sflag:s18], $0x4000  }
0x5c: {  	[sflag:s18] =	ssyncset.done $0x0  }
0x5d: {  	[sflag:s18] =	ssyncadd.s32 $0xFFFFC000  }
0x5e: {  	[spmem:s3] =	stream.indirect.scatter.add.f32 [tilespmem:s16], [sflag:$0x3], $0x80, s21, s14, $0xb8;
	[tilespmem:$0x1C400] =	vst v63  }
0x5f: {  	_ =	swait.ge [sflag:s12], $0x4000  }
0x60: {  	s23 =	sadd.s32 $0x1, s23;
	[sflag:s12] =	ssyncset.done $0x0  }
0x61: {  	p0 =	sne.s32 s23, s10;
	[sflag:s12] =	ssyncadd.s32 $0xFFFFC000  }
.Ltmp1:
0x62: {  	[bflag:$0x0] =	sbarrier.arrive $0xFFFF;
	(pc) =	sbr.rel @p0 .LBB2_1-.Ltmp1, $4  }
0x63: {  	[hbm:s9], [sflag:s6] =	dma.local [spmem:s22], $0x1400  }
0x64: {  	_ =	swait.ge [sflag:s12], $0x1400  }
0x65: {  	[sflag:s12] =	ssyncset.done $0x0  }
0x66: {  	[sflag:s12] =	ssyncadd.s32 $0xFFFFEC00  }
0x67: {  	_ =	sfence.sel $0x180000  }
0x68: {  	[bflag:$0x0] =	sbarrier.arrive $0xFFFF  }
0x69: {  	p0 =	sne.s32 s0, $0x0;
	_ =	strace $0x9000004A  }
0x6a: {  	s0 =	sadd.s32 @!p0 $0x100000, s2;
	[bflag:$0x2] =	sbarrier.arrive $0xFFFF  }
0x6b: {  	[sflag:s0] =	ssyncadd.tile.s32 @!p0 $0x1;
	_ =	shalt  }
.Lfunc_end2:
_tile_overlayer_lowered:
.L_overlay_start_2:
0x6c: {  	(tag) =	ssettag $0x2  }
0x6d: {  	s0 =	rddreg [dreg:$0x0];
	s2 =	stileid.u32  }
0x6e: {  	s1 =	rddreg [dreg:$0x1];
	p0 =	sne.s32 s2, $0x0  }
0x6f: {  	s3 =	rddreg [dreg:$0x2];
	[bflag:$0x3] =	sbarrier.arrive $0xFFFF;
	s2 =	simm.s32 @!p0 $0x1C03  }
0x70: {  	[timem:s3], [sflag:s2] =	dma.local @!p0 [hbm:s0], s1  }
0x71: {  	s0 =	simm.s32 @!p0 $0x3  }
0x72: {  	_ =	swait.ge @!p0 [sflag:s0], s1  }
0x73: {  	s1 =	ssub.s32 @!p0 $0x0, s1;
	[sflag:s0] =	ssyncset.done @!p0 $0x0  }
0x74: {  	[sflag:s0] =	ssyncadd.s32 @!p0 s1  }
0x75: {  	[bflag:$0x3] =	sbarrier.arrive $0xFFFF  }
0x76: {  	_ =	shalt  }

// kernel: kernel.15.cloned.1.call-start
scs
__scs_entry_jumppad:
0x0: {  	(pc) =	sbr.rel $0x88, $3  }
0x1: {  	(tag) =	ssettag $0x0;
	lr =	simm.s32 $0x1  }
0x2: {  	[smem:$0x3F9B] =	sst lr;
	_ =	strace $0xD0000000  }
0x3: {  	_ = 	snop  }
0x4: {  	_ = 	snop  }
0x5: {  	_ = 	snop  }
0x6: {  	_ = 	snop  }
0x7: {  	_ = 	snop  }
__scs_overlays_trampoline_lowered:
0x8: {  	[smem:$0x3FAA] =	sst s0  }
0x9: {  	[smem:$0x3FAB] =	sst s1  }
0xa: {  	[smem:$0x3FAC] =	sst s2  }
0xb: {  	[smem:$0x3FAD] =	sst s3  }
0xc: {  	[smem:$0x3FAE] =	sst s4  }
0xd: {  	[smem:$0x3FAF] =	sst s5  }
0xe: {  	[smem:$0x3FB0] =	sst s6  }
0xf: {  	[smem:$0x3FB1] =	sst s7  }
0x10: {  	[smem:$0x3FB2] =	sst s8  }
0x11: {  	[smem:$0x3FB3] =	sst s9;
	s0 =	simm.s32 @!p0 $0x0  }
0x12: {  	s1 =	sld [smem:$0x3F99];
	s0 =	simm.s32 @p0 $0x1  }
0x13: {  	[smem:$0x3FB4] =	sst s0;
	s0 =	simm.s32 @!p1 $0x0  }
0x14: {  	s2 =	sld [smem:$0x3F98];
	s0 =	simm.s32 @p1 $0x1  }
0x15: {  	[smem:$0x3FB5] =	sst s0;
	s0 =	simm.s32 @!p2 $0x0  }
0x16: {  	s3 =	sld [smem:$0x3FDB];
	s0 =	simm.s32 @p2 $0x1  }
0x17: {  	s4 =	simm.s32 $0x1BF5;
	[smem:$0x3FB7] =	sst s0  }
0x18: {  	s0 =	sld [smem:$0x3F9A];
	_ =	swait.ge [sflag:s4], $0x0  }
0x19: {  	s7 =	sld [smem:$0x3F9B]  }
0x1a: {  	s8 =	sadd.s32 $0xFFFFE003, lr  }
0x1b: {  	s9 =	sadd.s32 $0xFFFFFEF7, lr;
	s5 =	simm.s32 $0xFFFFFFFF;
	p2 =	slt.u32 s8, $0xFFFFF086  }
0x1c: {  	p1 =	slt.u32 s9, $0xF7A;
	s5 =	simm.s32 @!p2 $0x0  }
0x1d: {  	s5 =	simm.s32 @p1 $0x1;
	p0 =	seq.s32 s7, s2  }
0x1e: {  	s7 =	smul.u32 @!p0 $0xF7A, s2;
	p2 =	seq.s32 @!p0 s5, $0x0  }
0x1f: {  	s9 =	smul.u32 $0xF7A, s1;
	s8 =	simm.s32 @!p0 $0x1BF5;
	p2 =	por !p2, p0  }
0x20: {  	[sflag:s8] =	ssyncset.s32 @!p0 $0xFFFFF086;
	s6 =	sadd.s32 @!p0 s3, s7;
	s7 =	simm.s32 @!p0 $0x108  }
0x21: {  	s3 =	sadd.s32 s3, s9;
	s6 =	sadd.s32 @!p0 $0x88, s6;
	s7 =	simm.s32 @p2 $0x1082  }
0x22: {  	[simem:s7], [sflag:s8] =	dma.local @!p0 [hbm:s6], $0xF7A  }
0x23: {  	s9 =	sor.u32 $0xD0000000, s2;
	s6 =	simm.s32 $0x108;
	_ =	swait.ge @!p0 [sflag:s8], $0x0  }
0x24: {  	s3 =	sadd.s32 $0x88, s3;
	s6 =	simm.s32 @!p1 $0x1082;
	[sflag:s4] =	ssyncset.s32 $0xFFFFF086  }
0x25: {  	[simem:s6], [sflag:s4] =	dma.local [hbm:s3], $0xF7A  }
0x26: {  	[smem:$0x3F9B] =	sst s1;
	(tag) =	ssettag s2;
	_ =	strace s9  }
0x27: {  	s1 =	sld [smem:$0x3FAB]  }
0x28: {  	s2 =	sld [smem:$0x3FAC]  }
0x29: {  	s4 =	sld [smem:$0x3FAE]  }
0x2a: {  	p0 =	seq.s32 s5, $0x0;
	s5 =	sld [smem:$0x3FAF]  }
0x2b: {  	s6 =	sld [smem:$0x3FB0]  }
0x2c: {  	s7 =	sld [smem:$0x3FB1]  }
0x2d: {  	s3 =	simm.s32 $0x108;
	s8 =	sld [smem:$0x3FB2]  }
0x2e: {  	s3 =	simm.s32 @!p0 $0x1082;
	s9 =	sld [smem:$0x3FB3]  }
0x2f: {  	lr =	sadd.s32 s0, s3;
	s0 =	sld [smem:$0x3FAA]  }
0x30: {  	s3 =	sld [smem:$0x3FAD]  }
0x31: {  	[smem:$0x3FB6] =	sst s10  }
0x32: {  	s10 =	sld [smem:$0x3FB4];
	_ =	sdelay $0x3  }
0x33: {  	p0 =	seq.s32 s10, $0x1;
	s10 =	sld [smem:$0x3FB6];
	_ =	sdelay $0x3  }
0x34: {  	[smem:$0x3FB6] =	sst s10  }
0x35: {  	s10 =	sld [smem:$0x3FB5];
	_ =	sdelay $0x3  }
0x36: {  	p1 =	seq.s32 s10, $0x1;
	s10 =	sld [smem:$0x3FB6];
	_ =	sdelay $0x3  }
0x37: {  	[smem:$0x3FB6] =	sst s10  }
0x38: {  	s10 =	sld [smem:$0x3FB7]  }
0x39: {  	_ = 	snop;
	(pc) =	sbr.ind lr, $3  }
0x3a: {  	_ = 	snop  }
0x3b: {  	_ = 	snop  }
0x3c: {  	p2 =	seq.s32 s10, $0x1;
	s10 =	sld [smem:$0x3FB6]  }
0x3d: {  	_ =	shalt  }
0x3e: {  	_ =	shalt  }
0x3f: {  	_ =	shalt  }
0x40: {  	_ =	shalt  }
0x41: {  	_ =	shalt  }
0x42: {  	_ =	shalt  }
0x43: {  	_ =	shalt  }
0x44: {  	_ =	shalt  }
0x45: {  	_ =	shalt  }
0x46: {  	_ =	shalt  }
0x47: {  	_ =	shalt  }
0x48: {  	_ =	shalt  }
0x49: {  	_ =	shalt  }
0x4a: {  	_ =	shalt  }
0x4b: {  	_ =	shalt  }
0x4c: {  	_ =	shalt  }
0x4d: {  	_ =	shalt  }
0x4e: {  	_ =	shalt  }
0x4f: {  	_ =	shalt  }
0x50: {  	_ =	shalt  }
0x51: {  	_ =	shalt  }
0x52: {  	_ =	shalt  }
0x53: {  	_ =	shalt  }
0x54: {  	_ =	shalt  }
0x55: {  	_ =	shalt  }
0x56: {  	_ =	shalt  }
0x57: {  	_ =	shalt  }
0x58: {  	_ =	shalt  }
0x59: {  	_ =	shalt  }
0x5a: {  	_ =	shalt  }
0x5b: {  	_ =	shalt  }
0x5c: {  	_ =	shalt  }
0x5d: {  	_ =	shalt  }
0x5e: {  	_ =	shalt  }
0x5f: {  	_ =	shalt  }
0x60: {  	_ =	shalt  }
0x61: {  	_ =	shalt  }
0x62: {  	_ =	shalt  }
0x63: {  	_ =	shalt  }
0x64: {  	_ =	shalt  }
0x65: {  	_ =	shalt  }
0x66: {  	_ =	shalt  }
0x67: {  	_ =	shalt  }
0x68: {  	_ =	shalt  }
0x69: {  	_ =	shalt  }
0x6a: {  	_ =	shalt  }
0x6b: {  	_ =	shalt  }
0x6c: {  	_ =	shalt  }
0x6d: {  	_ =	shalt  }
0x6e: {  	_ =	shalt  }
0x6f: {  	_ =	shalt  }
0x70: {  	_ =	shalt  }
0x71: {  	_ =	shalt  }
0x72: {  	_ =	shalt  }
0x73: {  	_ =	shalt  }
0x74: {  	_ =	shalt  }
0x75: {  	_ =	shalt  }
0x76: {  	_ =	shalt  }
0x77: {  	_ =	shalt  }
0x78: {  	_ =	shalt  }
0x79: {  	_ =	shalt  }
0x7a: {  	_ =	shalt  }
0x7b: {  	_ =	shalt  }
0x7c: {  	_ =	shalt  }
0x7d: {  	_ =	shalt  }
0x7e: {  	_ =	shalt  }
0x7f: {  	_ =	shalt  }
0x80: {  	_ =	shalt  }
0x81: {  	_ =	shalt  }
0x82: {  	_ =	shalt  }
0x83: {  	_ =	shalt  }
0x84: {  	_ =	shalt  }
0x85: {  	_ =	shalt  }
0x86: {  	_ =	shalt  }
0x87: {  	_ =	shalt  }
.Lfunc_end0:
.L_simem_size_0:
called_computation.2_lowered:
.L_overlay_start_0:
0x88: {  	s2 =	sld [smem:$0x3FD9]  }
0x89: {  	s3 =	sld [smem:$0x3FFE];
	_ =	sdelay $0x1  }
0x8a: {  	s1 =	srdreg.scid  }
0x8b: {  	s0 =	sand.u32 $0x1, s1  }
0x8c: {  	s17 =	sshll.u32 s0, $0xA;
	s2 =	sadd.s32 s3, s2  }
0x8d: {  	s2 =	sadd.s32 s2, s17  }
0x8e: {  	[smem:$0x3FC2] =	sst s2  }
0x8f: {  	_ = 	snop  }
0x90: {  	s2 =	sld [smem:$0x3FD0];
	(tm) =	ssettm $0x1  }
0x91: {  	s18 =	sld [smem:$0x3FFB];
	_ =	sdelay $0x3  }
0x92: {  	_ =	strace s18  }
0x93: {  	s3 =	sld [smem:$0x3FFC];
	_ =	sdelay $0x3  }
0x94: {  	_ =	strace s3  }
0x95: {  	s3 =	sld [smem:$0x3FFD];
	_ =	sdelay $0x3  }
0x96: {  	_ =	strace s3  }
0x97: {  	_ =	strace $0x8FFFFFFF  }
0x98: {  	s19 =	sld [smem:$0x3FDB];
	_ =	sdelay $0x1  }
0x99: {  	s4 =	simm.s32 $_scs_section_size  }
0x9a: {  	s5 =	simm.s32 $_size__tile_overlayer_lowered;
	s6 =	simm.s32 $_tile_overlayer_lowered  }
0x9b: {  	s22 =	simm.s32 $0x1BFF;
	s21 =	sshll.u32 s6, $0x1;
	s3 =	sadd.s32 s4, s19  }
0x9c: {  	s7 =	simm.s32 $0x0;
	s20 =	sshll.u32 s5, $0x1;
	s5 =	sadd.s32 s21, s3  }
0x9d: {  	[timem:s7], [sflag:s22] =	dma.local [hbm:s5], s20  }
0x9e: {  	_ =	swait.ge [sflag:s22], s20  }
0x9f: {  	s4 =	ssub.s32 $0x0, s20;
	[sflag:s22] =	ssyncset.done $0x0  }
0xa0: {  	[sflag:s22] =	ssyncadd.s32 s4;
	_ =	sdelay $0x1  }
0xa1: {  	s23 =	simm.s32 $0x1B8B  }
0xa2: {  	_ =	swait.ge [sflag:s23], $0x1  }
0xa3: {  	[sflag:s23] =	ssyncset.done $0x0  }
0xa4: {  	s25 =	simm.s32 $0x1B8E;
	s24 =	sld [smem:$0x3FFE];
	[sflag:s23] =	ssyncadd.s32 $0xFFFFFFFF  }
0xa5: {  	s26 =	simm.s32 $execute0_lowered;
	[smem:$0x3FD2] =	sst s25  }
0xa6: {  	s5 =	sshll.u32 s26, $0x1;
	_ =	strace $0x8000004C;
	[dreg:$0x1] =	wrdreg $0xFFFFFFFF  }
0xa7: {  	s28 =	simm.s32 $_size_execute0_lowered;
	s3 =	sadd.s32 s3, s5;
	[dreg:$0x0] =	wrdreg $0x0  }
0xa8: {  	s5 =	sshll.u32 s28, $0x1;
	[dreg:$0x2] =	wrdreg s3  }
0xa9: {  	[dreg:$0x3] =	wrdreg s5  }
0xaa: {  	[dreg:$0x4] =	wrdreg $0xC0  }
0xab: {  	_ =	task [dreg:s7], $0x5FFFF  }
0xac: {  	[dreg:$0x1] =	wrdreg $0xFFFFFFFF  }
0xad: {  	[dreg:$0x0] =	wrdreg $0x60  }
0xae: {  	[dreg:$0x2] =	wrdreg s2  }
0xaf: {  	[dreg:$0x3] =	wrdreg s24  }
0xb0: {  	[dreg:$0x4] =	wrdreg $0x120000  }
0xb1: {  	[dreg:$0x5] =	wrdreg $0x9  }
0xb2: {  	_ =	task.clear_ibuf [dreg:s7], $0x6FFFF;
	_ =	strace $0x9000004C  }
0xb3: {  	s29 =	simm.s32 $0x9;
	_ =	strace $0x8000004E  }
0xb4: {  	_ =	swait.ge [sflag:s29], $0x1  }
0xb5: {  	[sflag:s29] =	ssyncadd.s32 $0xFFFFFFFF  }
0xb6: {  	_ =	strace $0x9000004E  }
0xb7: {  	_ =	sfence  }
0xb8: {  	s30 =	sld [smem:$0x0];
	_ =	sdelay $0x2  }
0xb9: {  	s31 =	sshll.u32 s1, $0xD;
	s1 =	sshrl.u32 s1, $0x2  }
0xba: {  	s3 =	sand.u32 $0x4000, s31;
	s1 =	sadd.s32 s1, s30  }
0xbb: {  	s0 =	sor.u32 s3, s0;
	s1 =	sshll.u32 s1, $0x11  }
0xbc: {  	s0 =	sor.u32 s1, s0  }
0xbd: {  	s0 =	sadd.s32 $0x8F2B, s0  }
0xbe: {  	[sflag:s0] =	ssyncadd.remote.s32 $0x1  }
0xbf: {  	_ =	sfence.sel $0xFFFF  }
0xc0: {  	[dreg:$0x0] =	wrdreg $0xFFFFFFFF;
	(pc) =	sbr.abs _section_cstart, $3  }
0xc1: {  	[dreg:$0x1] =	wrdreg $0xFFFFFFFF  }
0xc2: {  	_ =	task.clear_ibuf [dreg:s7], $0x2FFFF;
	_ =	strace $0x9FFFFFFF  }
0xc3: {  	(tm) =	ssettm $0x7FFFFFFF  }
tec
execute0_lowered:
.L_overlay_start_1:
0x0: {  	(tag) =	ssettag $0x1  }
0x1: {  	s1 =	rddreg [dreg:$0x0]  }
0x2: {  	s6 =	rddreg [dreg:$0x1];
	s0 =	stileid.u32  }
0x3: {  	s2 =	srdreg.scid;
	s3 =	rddreg [dreg:$0x2];
	s4 =	simm.s32 $0x0  }
0x4: {  	s16 =	simm.s32 $0xE000;
	s17 =	simm.s32 $0x1;
	s5 =	smul.u32 $0x5000, s0  }
0x5: {  	s18 =	simm.s32 $0x2;
	s19 =	simm.s32 $0x4F80;
	s24 =	smul.u32 $0xA000, s0  }
0x6: {  	s20 =	simm.s32 $0x9F00;
	s21 =	simm.s32 $0x9F80;
	s12 =	smul.u32 $0x29000, s0  }
0x7: {  	s7 =	sand.u32 $0x1, s2;
	s2 =	rddreg [dreg:$0x3];
	s30 =	smul.u32 $0x28000, s0  }
0x8: {  	s23 =	simm.s32 $0x0;
	[smem:$0x7FF] =	sst s4;
	s8 =	smul.u32 $0x50000, s7  }
0x9: {  	s29 =	sshll.u32 s0, $0x6;
	s9 =	smul.u32 $0xA0000, s7;
	s7 =	ssub.s32 $0x2, s7  }
0xa: {  	_ =	strace $0x8000004D;
	s10 =	sshrl.u32 s5, $0x3;
	s26 =	sshrl.u32 s7, $0x1  }
0xb: {  	s28 =	sshrl.u32 s12, $0x2;
	s31 =	sshrl.u32 s30, $0x2;
	s12 =	simm.s32 $0x3  }
0xc: {  	s5 =	sadd.s32 s5, s8;
	s10 =	sadd.s32 s10, s6;
	s25 =	sadd.s32 s24, s9  }
0xd: {  	s14 =	ssub.s32 s7, s26;
	s15 =	sadd.s32 s28, s3;
	s22 =	sadd.s32 s31, s3  }
0xe: {  	s5 =	sshrl.u32 s5, $0x3;
	s8 =	sshrl.u32 s25, $0x3;
	s7 =	sadd.s32 $0x2000, s10  }
0xf: {  	s10 =	smax.u32 s14, $0x1;
	s14 =	simm.s32 $0x80;
	s22 =	sshrl.u32 s22, $0x3  }
0x10: {  	s11 =	sadd.s32 s5, s6;
	s5 =	sadd.s32 $0x20000, s6;
	s13 =	sadd.s32 s8, s6  }
0x11: {  	s6 =	sor.u32 $0x1C03, s29;
	s8 =	sadd.s32 $0xC000, s11;
	s9 =	sadd.s32 $0x21600, s13  }
0x12: {  	s11 =	sshrl.u32 s15, $0x3;
	s13 =	simm.s32 $0x5000;
	s15 =	simm.s32 $0xA000  }
.LBB2_1:
0x13: {  	[spmem:s11], [sflag:s6] =	dma.local [hbm:s5], $0x1480  }
0x14: {  	_ =	swait.ge [sflag:s12], $0x1480  }
0x15: {  	[sflag:s12] =	ssyncset.done $0x0  }
0x16: {  	[sflag:s12] =	ssyncadd.s32 $0xFFFFEB80  }
0x17: {  	[tilespmem:s4], [sflag:$0x3] =	stream.linear.gather [hbm4b:s7+s4], $0x5000, $0x38;
	[tilespmem:$0x1C400] =	vst v63  }
0x18: {  	_ =	swait.ge [sflag:s12], $0x5000  }
0x19: {  	[sflag:s12] =	ssyncset.done $0x0  }
0x1a: {  	[sflag:s12] =	ssyncadd.s32 $0xFFFFB000  }
0x1b: {  	[tilespmem:s13], [sflag:$0x3] =	stream.linear.gather [hbm4b:s8+s4], $0x5000, $0x38;
	[tilespmem:$0x1C400] =	vst v63  }
0x1c: {  	_ =	swait.ge [sflag:s12], $0x5000  }
0x1d: {  	[sflag:s12] =	ssyncset.done $0x0  }
0x1e: {  	[sflag:s12] =	ssyncadd.s32 $0xFFFFB000  }
0x1f: {  	[bflag:$0x0] =	sbarrier.arrive $0xFFFF  }
0x20: {  	[tilespmem:s15], [sflag:$0x1] =	stream.indirect.gather [hbm4b:s1+s14], $0x80, s4, s14, $0xb8;
	[tilespmem:$0x1C400] =	vst v63  }
0x21: {  	s24 =	simm.s32 $0x80  }
0x22: {  	[tilespmem:s16], [sflag:$0x2] =	stream.indirect.gather [hbm4b:s1+s14], $0x80, s24, s14, $0xb8;
	[tilespmem:$0x1C400] =	vst v63  }
0x23: {  	_ =	swait.ge [sflag:s17], $0x4000  }
0x24: {  	[sflag:s17] =	ssyncset.done $0x0  }
0x25: {  	s29 =	simm.s32 $0x5000;
	[sflag:s17] =	ssyncadd.s32 $0xFFFFC000  }
0x26: {  	[spmem:s3] =	stream.indirect.scatter.add.f32 [tilespmem:s15], [sflag:$0x3], $0x80, s29, s14, $0xb8;
	[tilespmem:$0x1C400] =	vst v63  }
0x27: {  	_ =	swait.ge [sflag:s12], $0x4000  }
0x28: {  	[sflag:s12] =	ssyncset.done $0x0  }
0x29: {  	s30 =	simm.s32 $0x100;
	[sflag:s12] =	ssyncadd.s32 $0xFFFFC000  }
0x2a: {  	[tilespmem:s15], [sflag:$0x1] =	stream.indirect.gather [hbm4b:s1+s14], $0x80, s30, s14, $0xb8;
	[tilespmem:$0x1C400] =	vst v63  }
0x2b: {  	_ =	swait.ge [sflag:s18], $0x4000  }
0x2c: {  	[sflag:s18] =	ssyncset.done $0x0  }
0x2d: {  	s31 =	simm.s32 $0x5080;
	[sflag:s18] =	ssyncadd.s32 $0xFFFFC000  }
0x2e: {  	[spmem:s3] =	stream.indirect.scatter.add.f32 [tilespmem:s16], [sflag:$0x3], $0x80, s31, s14, $0xb8;
	[tilespmem:$0x1C400] =	vst v63  }
0x2f: {  	_ =	swait.ge [sflag:s12], $0x4000  }
0x30: {  	s25 =	simm.s32 $0x800;
	s24 =	simm.s32 $0x100;
	[sflag:s12] =	ssyncset.done $0x0  }
.LBB2_2:
0x31: {  	s26 =	sadd.s32 $0x80, s24  }
0x32: {  	[sflag:s12] =	ssyncadd.s32 $0xFFFFC000;
	s28 =	smov.u32 s25;
	s29 =	sadd.s32 $0x400, s25  }
0x33: {  	[tilespmem:s16], [sflag:$0x2] =	stream.indirect.gather [hbm4b:s1+s14], $0x80, s26, s14, $0xb8;
	[tilespmem:$0x1C400] =	vst v63  }
0x34: {  	p0 =	sne.s32 s25, $0x13800;
	_ =	swait.ge [sflag:s17], $0x4000  }
0x35: {  	[sflag:s17] =	ssyncset.done $0x0  }
0x36: {  	s25 =	sadd.s32 $0x5000, s24;
	[sflag:s17] =	ssyncadd.s32 $0xFFFFC000  }
0x37: {  	[spmem:s3] =	stream.indirect.scatter.add.f32 [tilespmem:s15], [sflag:$0x3], $0x80, s25, s14, $0xb8;
	[tilespmem:$0x1C400] =	vst v63  }
0x38: {  	_ =	swait.ge [sflag:s12], $0x4000  }
0x39: {  	[sflag:s12] =	ssyncset.done $0x0  }
0x3a: {  	s25 =	sadd.s32 $0x100, s24;
	[sflag:s12] =	ssyncadd.s32 $0xFFFFC000  }
0x3b: {  	[tilespmem:s15], [sflag:$0x1] =	stream.indirect.gather [hbm4b:s1+s14], $0x80, s25, s14, $0xb8;
	[tilespmem:$0x1C400] =	vst v63  }
0x3c: {  	_ =	swait.ge [sflag:s18], $0x4000  }
.Ltmp0:
0x3d: {  	[sflag:s18] =	ssyncset.done $0x0;
	(pc) =	sbr.rel @p0 .LBB2_2-.Ltmp0, $4  }
0x3e: {  	s24 =	sadd.s32 $0x5080, s24;
	[sflag:s18] =	ssyncadd.s32 $0xFFFFC000  }
0x3f: {  	[spmem:s3] =	stream.indirect.scatter.add.f32 [tilespmem:s16], [sflag:$0x3], $0x80, s24, s14, $0xb8;
	[tilespmem:$0x1C400] =	vst v63  }
0x40: {  	_ =	swait.ge [sflag:s12], $0x4000  }
0x41: {  	s25 =	smov.u32 s29;
	s24 =	sshra.s32 s28, $0x2;
	[sflag:s12] =	ssyncset.done $0x0  }
0x42: {  	s25 =	sadd.s32 $0x80, s24;
	[sflag:s12] =	ssyncadd.s32 $0xFFFFC000  }
0x43: {  	[tilespmem:s16], [sflag:$0x2] =	stream.indirect.gather [hbm4b:s1+s14], $0x80, s25, s14, $0xb8;
	[tilespmem:$0x1C400] =	vst v63  }
0x44: {  	_ =	swait.ge [sflag:s17], $0x4000  }
0x45: {  	[sflag:s17] =	ssyncset.done $0x0  }
0x46: {  	s29 =	sadd.s32 $0x5000, s24;
	[sflag:s17] =	ssyncadd.s32 $0xFFFFC000  }
0x47: {  	[spmem:s3] =	stream.indirect.scatter.add.f32 [tilespmem:s15], [sflag:$0x3], $0x80, s29, s14, $0xb8;
	[tilespmem:$0x1C400] =	vst v63  }
0x48: {  	_ =	swait.ge [sflag:s12], $0x4000  }
0x49: {  	[sflag:s12] =	ssyncset.done $0x0  }
0x4a: {  	s30 =	sadd.s32 $0x100, s24;
	[sflag:s12] =	ssyncadd.s32 $0xFFFFC000  }
0x4b: {  	[tilespmem:s15], [sflag:$0x1] =	stream.indirect.gather [hbm4b:s1+s14], $0x80, s30, s14, $0xb8;
	[tilespmem:$0x1C400] =	vst v63  }
0x4c: {  	_ =	swait.ge [sflag:s18], $0x4000  }
0x4d: {  	[sflag:s18] =	ssyncset.done $0x0  }
0x4e: {  	s31 =	sadd.s32 $0x5080, s24;
	[sflag:s18] =	ssyncadd.s32 $0xFFFFC000  }
0x4f: {  	[spmem:s3] =	stream.indirect.scatter.add.f32 [tilespmem:s16], [sflag:$0x3], $0x80, s31, s14, $0xb8;
	[tilespmem:$0x1C400] =	vst v63  }
0x50: {  	_ =	swait.ge [sflag:s12], $0x4000  }
0x51: {  	[sflag:s12] =	ssyncset.done $0x0  }
0x52: {  	[sflag:s12] =	ssyncadd.s32 $0xFFFFC000  }
0x53: {  	[tilespmem:s16], [sflag:$0x2] =	stream.indirect.gather [hbm4b:s1+s14], $0x80, s19, s14, $0xb8;
	[tilespmem:$0x1C400] =	vst v63  }
0x54: {  	_ =	swait.ge [sflag:s17], $0x4000  }
0x55: {  	[sflag:s17] =	ssyncset.done $0x0  }
0x56: {  	[sflag:s17] =	ssyncadd.s32 $0xFFFFC000  }
0x57: {  	[spmem:s3] =	stream.indirect.scatter.add.f32 [tilespmem:s15], [sflag:$0x3], $0x80, s20, s14, $0xb8;
	[tilespmem:$0x1C400] =	vst v63  }
0x58: {  	_ =	swait.ge [sflag:s12], $0x4000  }
0x59: {  	[sflag:s12] =	ssyncset.done $0x0  }
0x5a: {  	[sflag:s12] =	ssyncadd.s32 $0xFFFFC000  }
0x5b: {  	_ =	swait.ge [sflag:s18], $0x4000  }
0x5c: {  	[sflag:s18] =	ssyncset.done $0x0  }
0x5d: {  	[sflag:s18] =	ssyncadd.s32 $0xFFFFC000  }
0x5e: {  	[spmem:s3] =	stream.indirect.scatter.add.f32 [tilespmem:s16], [sflag:$0x3], $0x80, s21, s14, $0xb8;
	[tilespmem:$0x1C400] =	vst v63  }
0x5f: {  	_ =	swait.ge [sflag:s12], $0x4000  }
0x60: {  	s23 =	sadd.s32 $0x1, s23;
	[sflag:s12] =	ssyncset.done $0x0  }
0x61: {  	p0 =	sne.s32 s23, s10;
	[sflag:s12] =	ssyncadd.s32 $0xFFFFC000  }
.Ltmp1:
0x62: {  	[bflag:$0x0] =	sbarrier.arrive $0xFFFF;
	(pc) =	sbr.rel @p0 .LBB2_1-.Ltmp1, $4  }
0x63: {  	[hbm:s9], [sflag:s6] =	dma.local [spmem:s22], $0x1400  }
0x64: {  	_ =	swait.ge [sflag:s12], $0x1400  }
0x65: {  	[sflag:s12] =	ssyncset.done $0x0  }
0x66: {  	[sflag:s12] =	ssyncadd.s32 $0xFFFFEC00  }
0x67: {  	_ =	sfence.sel $0x180000  }
0x68: {  	[bflag:$0x0] =	sbarrier.arrive $0xFFFF  }
0x69: {  	p0 =	sne.s32 s0, $0x0;
	_ =	strace $0x9000004D  }
0x6a: {  	s0 =	sadd.s32 @!p0 $0x100000, s2;
	[bflag:$0x2] =	sbarrier.arrive $0xFFFF  }
0x6b: {  	[sflag:s0] =	ssyncadd.tile.s32 @!p0 $0x1;
	_ =	shalt  }
.Lfunc_end2:
_tile_overlayer_lowered:
.L_overlay_start_2:
0x6c: {  	(tag) =	ssettag $0x2  }
0x6d: {  	s0 =	rddreg [dreg:$0x0];
	s2 =	stileid.u32  }
0x6e: {  	s1 =	rddreg [dreg:$0x1];
	p0 =	sne.s32 s2, $0x0  }
0x6f: {  	s3 =	rddreg [dreg:$0x2];
	[bflag:$0x3] =	sbarrier.arrive $0xFFFF;
	s2 =	simm.s32 @!p0 $0x1C03  }
0x70: {  	[timem:s3], [sflag:s2] =	dma.local @!p0 [hbm:s0], s1  }
0x71: {  	s0 =	simm.s32 @!p0 $0x3  }
0x72: {  	_ =	swait.ge @!p0 [sflag:s0], s1  }
0x73: {  	s1 =	ssub.s32 @!p0 $0x0, s1;
	[sflag:s0] =	ssyncset.done @!p0 $0x0  }
0x74: {  	[sflag:s0] =	ssyncadd.s32 @!p0 s1  }
0x75: {  	[bflag:$0x3] =	sbarrier.arrive $0xFFFF  }
0x76: {  	_ =	shalt  }

// kernel: kernel.9.cloned.1.call-start
scs
__scs_entry_jumppad:
0x0: {  	(pc) =	sbr.rel $0x88, $3  }
0x1: {  	(tag) =	ssettag $0x0;
	lr =	simm.s32 $0x1  }
0x2: {  	[smem:$0x3F9B] =	sst lr;
	_ =	strace $0xD0000000  }
0x3: {  	_ = 	snop  }
0x4: {  	_ = 	snop  }
0x5: {  	_ = 	snop  }
0x6: {  	_ = 	snop  }
0x7: {  	_ = 	snop  }
__scs_overlays_trampoline_lowered:
0x8: {  	[smem:$0x3FAA] =	sst s0  }
0x9: {  	[smem:$0x3FAB] =	sst s1  }
0xa: {  	[smem:$0x3FAC] =	sst s2  }
0xb: {  	[smem:$0x3FAD] =	sst s3  }
0xc: {  	[smem:$0x3FAE] =	sst s4  }
0xd: {  	[smem:$0x3FAF] =	sst s5  }
0xe: {  	[smem:$0x3FB0] =	sst s6  }
0xf: {  	[smem:$0x3FB1] =	sst s7  }
0x10: {  	[smem:$0x3FB2] =	sst s8  }
0x11: {  	[smem:$0x3FB3] =	sst s9;
	s0 =	simm.s32 @!p0 $0x0  }
0x12: {  	s1 =	sld [smem:$0x3F99];
	s0 =	simm.s32 @p0 $0x1  }
0x13: {  	[smem:$0x3FB4] =	sst s0;
	s0 =	simm.s32 @!p1 $0x0  }
0x14: {  	s2 =	sld [smem:$0x3F98];
	s0 =	simm.s32 @p1 $0x1  }
0x15: {  	[smem:$0x3FB5] =	sst s0;
	s0 =	simm.s32 @!p2 $0x0  }
0x16: {  	s3 =	sld [smem:$0x3FDB];
	s0 =	simm.s32 @p2 $0x1  }
0x17: {  	s4 =	simm.s32 $0x1BF5;
	[smem:$0x3FB7] =	sst s0  }
0x18: {  	s0 =	sld [smem:$0x3F9A];
	_ =	swait.ge [sflag:s4], $0x0  }
0x19: {  	s7 =	sld [smem:$0x3F9B]  }
0x1a: {  	s8 =	sadd.s32 $0xFFFFE003, lr  }
0x1b: {  	s9 =	sadd.s32 $0xFFFFFEF7, lr;
	s5 =	simm.s32 $0xFFFFFFFF;
	p2 =	slt.u32 s8, $0xFFFFF086  }
0x1c: {  	p1 =	slt.u32 s9, $0xF7A;
	s5 =	simm.s32 @!p2 $0x0  }
0x1d: {  	s5 =	simm.s32 @p1 $0x1;
	p0 =	seq.s32 s7, s2  }
0x1e: {  	s7 =	smul.u32 @!p0 $0xF7A, s2;
	p2 =	seq.s32 @!p0 s5, $0x0  }
0x1f: {  	s9 =	smul.u32 $0xF7A, s1;
	s8 =	simm.s32 @!p0 $0x1BF5;
	p2 =	por !p2, p0  }
0x20: {  	[sflag:s8] =	ssyncset.s32 @!p0 $0xFFFFF086;
	s6 =	sadd.s32 @!p0 s3, s7;
	s7 =	simm.s32 @!p0 $0x108  }
0x21: {  	s3 =	sadd.s32 s3, s9;
	s6 =	sadd.s32 @!p0 $0x88, s6;
	s7 =	simm.s32 @p2 $0x1082  }
0x22: {  	[simem:s7], [sflag:s8] =	dma.local @!p0 [hbm:s6], $0xF7A  }
0x23: {  	s9 =	sor.u32 $0xD0000000, s2;
	s6 =	simm.s32 $0x108;
	_ =	swait.ge @!p0 [sflag:s8], $0x0  }
0x24: {  	s3 =	sadd.s32 $0x88, s3;
	s6 =	simm.s32 @!p1 $0x1082;
	[sflag:s4] =	ssyncset.s32 $0xFFFFF086  }
0x25: {  	[simem:s6], [sflag:s4] =	dma.local [hbm:s3], $0xF7A  }
0x26: {  	[smem:$0x3F9B] =	sst s1;
	(tag) =	ssettag s2;
	_ =	strace s9  }
0x27: {  	s1 =	sld [smem:$0x3FAB]  }
0x28: {  	s2 =	sld [smem:$0x3FAC]  }
0x29: {  	s4 =	sld [smem:$0x3FAE]  }
0x2a: {  	p0 =	seq.s32 s5, $0x0;
	s5 =	sld [smem:$0x3FAF]  }
0x2b: {  	s6 =	sld [smem:$0x3FB0]  }
0x2c: {  	s7 =	sld [smem:$0x3FB1]  }
0x2d: {  	s3 =	simm.s32 $0x108;
	s8 =	sld [smem:$0x3FB2]  }
0x2e: {  	s3 =	simm.s32 @!p0 $0x1082;
	s9 =	sld [smem:$0x3FB3]  }
0x2f: {  	lr =	sadd.s32 s0, s3;
	s0 =	sld [smem:$0x3FAA]  }
0x30: {  	s3 =	sld [smem:$0x3FAD]  }
0x31: {  	[smem:$0x3FB6] =	sst s10  }
0x32: {  	s10 =	sld [smem:$0x3FB4];
	_ =	sdelay $0x3  }
0x33: {  	p0 =	seq.s32 s10, $0x1;
	s10 =	sld [smem:$0x3FB6];
	_ =	sdelay $0x3  }
0x34: {  	[smem:$0x3FB6] =	sst s10  }
0x35: {  	s10 =	sld [smem:$0x3FB5];
	_ =	sdelay $0x3  }
0x36: {  	p1 =	seq.s32 s10, $0x1;
	s10 =	sld [smem:$0x3FB6];
	_ =	sdelay $0x3  }
0x37: {  	[smem:$0x3FB6] =	sst s10  }
0x38: {  	s10 =	sld [smem:$0x3FB7]  }
0x39: {  	_ = 	snop;
	(pc) =	sbr.ind lr, $3  }
0x3a: {  	_ = 	snop  }
0x3b: {  	_ = 	snop  }
0x3c: {  	p2 =	seq.s32 s10, $0x1;
	s10 =	sld [smem:$0x3FB6]  }
0x3d: {  	_ =	shalt  }
0x3e: {  	_ =	shalt  }
0x3f: {  	_ =	shalt  }
0x40: {  	_ =	shalt  }
0x41: {  	_ =	shalt  }
0x42: {  	_ =	shalt  }
0x43: {  	_ =	shalt  }
0x44: {  	_ =	shalt  }
0x45: {  	_ =	shalt  }
0x46: {  	_ =	shalt  }
0x47: {  	_ =	shalt  }
0x48: {  	_ =	shalt  }
0x49: {  	_ =	shalt  }
0x4a: {  	_ =	shalt  }
0x4b: {  	_ =	shalt  }
0x4c: {  	_ =	shalt  }
0x4d: {  	_ =	shalt  }
0x4e: {  	_ =	shalt  }
0x4f: {  	_ =	shalt  }
0x50: {  	_ =	shalt  }
0x51: {  	_ =	shalt  }
0x52: {  	_ =	shalt  }
0x53: {  	_ =	shalt  }
0x54: {  	_ =	shalt  }
0x55: {  	_ =	shalt  }
0x56: {  	_ =	shalt  }
0x57: {  	_ =	shalt  }
0x58: {  	_ =	shalt  }
0x59: {  	_ =	shalt  }
0x5a: {  	_ =	shalt  }
0x5b: {  	_ =	shalt  }
0x5c: {  	_ =	shalt  }
0x5d: {  	_ =	shalt  }
0x5e: {  	_ =	shalt  }
0x5f: {  	_ =	shalt  }
0x60: {  	_ =	shalt  }
0x61: {  	_ =	shalt  }
0x62: {  	_ =	shalt  }
0x63: {  	_ =	shalt  }
0x64: {  	_ =	shalt  }
0x65: {  	_ =	shalt  }
0x66: {  	_ =	shalt  }
0x67: {  	_ =	shalt  }
0x68: {  	_ =	shalt  }
0x69: {  	_ =	shalt  }
0x6a: {  	_ =	shalt  }
0x6b: {  	_ =	shalt  }
0x6c: {  	_ =	shalt  }
0x6d: {  	_ =	shalt  }
0x6e: {  	_ =	shalt  }
0x6f: {  	_ =	shalt  }
0x70: {  	_ =	shalt  }
0x71: {  	_ =	shalt  }
0x72: {  	_ =	shalt  }
0x73: {  	_ =	shalt  }
0x74: {  	_ =	shalt  }
0x75: {  	_ =	shalt  }
0x76: {  	_ =	shalt  }
0x77: {  	_ =	shalt  }
0x78: {  	_ =	shalt  }
0x79: {  	_ =	shalt  }
0x7a: {  	_ =	shalt  }
0x7b: {  	_ =	shalt  }
0x7c: {  	_ =	shalt  }
0x7d: {  	_ =	shalt  }
0x7e: {  	_ =	shalt  }
0x7f: {  	_ =	shalt  }
0x80: {  	_ =	shalt  }
0x81: {  	_ =	shalt  }
0x82: {  	_ =	shalt  }
0x83: {  	_ =	shalt  }
0x84: {  	_ =	shalt  }
0x85: {  	_ =	shalt  }
0x86: {  	_ =	shalt  }
0x87: {  	_ =	shalt  }
.Lfunc_end0:
.L_simem_size_0:
called_computation_lowered:
.L_overlay_start_0:
0x88: {  	s2 =	sld [smem:$0x3FD9]  }
0x89: {  	s3 =	sld [smem:$0x3FFE];
	_ =	sdelay $0x1  }
0x8a: {  	s1 =	srdreg.scid  }
0x8b: {  	s0 =	sand.u32 $0x1, s1  }
0x8c: {  	s17 =	sshll.u32 s0, $0xA;
	s2 =	sadd.s32 s3, s2  }
0x8d: {  	s2 =	sadd.s32 s2, s17  }
0x8e: {  	[smem:$0x3FC2] =	sst s2  }
0x8f: {  	_ = 	snop  }
0x90: {  	s2 =	sld [smem:$0x3FD0];
	(tm) =	ssettm $0x1  }
0x91: {  	s18 =	sld [smem:$0x3FFB];
	_ =	sdelay $0x3  }
0x92: {  	_ =	strace s18  }
0x93: {  	s3 =	sld [smem:$0x3FFC];
	_ =	sdelay $0x3  }
0x94: {  	_ =	strace s3  }
0x95: {  	s3 =	sld [smem:$0x3FFD];
	_ =	sdelay $0x3  }
0x96: {  	_ =	strace s3  }
0x97: {  	_ =	strace $0x8FFFFFFF  }
0x98: {  	s19 =	sld [smem:$0x3FDB];
	_ =	sdelay $0x1  }
0x99: {  	s4 =	simm.s32 $_scs_section_size  }
0x9a: {  	s5 =	simm.s32 $_size__tile_overlayer_lowered;
	s6 =	simm.s32 $_tile_overlayer_lowered  }
0x9b: {  	s22 =	simm.s32 $0x1BFF;
	s21 =	sshll.u32 s6, $0x1;
	s3 =	sadd.s32 s4, s19  }
0x9c: {  	s7 =	simm.s32 $0x0;
	s20 =	sshll.u32 s5, $0x1;
	s5 =	sadd.s32 s21, s3  }
0x9d: {  	[timem:s7], [sflag:s22] =	dma.local [hbm:s5], s20  }
0x9e: {  	_ =	swait.ge [sflag:s22], s20  }
0x9f: {  	s4 =	ssub.s32 $0x0, s20;
	[sflag:s22] =	ssyncset.done $0x0  }
0xa0: {  	[sflag:s22] =	ssyncadd.s32 s4;
	_ =	sdelay $0x1  }
0xa1: {  	s23 =	simm.s32 $0x1B8B  }
0xa2: {  	_ =	swait.ge [sflag:s23], $0x1  }
0xa3: {  	[sflag:s23] =	ssyncset.done $0x0  }
0xa4: {  	s25 =	simm.s32 $0x1B8E;
	s24 =	sld [smem:$0x3FFE];
	[sflag:s23] =	ssyncadd.s32 $0xFFFFFFFF  }
0xa5: {  	s26 =	simm.s32 $execute0_lowered;
	[smem:$0x3FD2] =	sst s25  }
0xa6: {  	s5 =	sshll.u32 s26, $0x1;
	_ =	strace $0x80000046;
	[dreg:$0x1] =	wrdreg $0xFFFFFFFF  }
0xa7: {  	s28 =	simm.s32 $_size_execute0_lowered;
	s3 =	sadd.s32 s3, s5;
	[dreg:$0x0] =	wrdreg $0x0  }
0xa8: {  	s5 =	sshll.u32 s28, $0x1;
	[dreg:$0x2] =	wrdreg s3  }
0xa9: {  	[dreg:$0x3] =	wrdreg s5  }
0xaa: {  	[dreg:$0x4] =	wrdreg $0xC0  }
0xab: {  	_ =	task [dreg:s7], $0x5FFFF  }
0xac: {  	[dreg:$0x1] =	wrdreg $0xFFFFFFFF  }
0xad: {  	[dreg:$0x0] =	wrdreg $0x60  }
0xae: {  	[dreg:$0x2] =	wrdreg s24  }
0xaf: {  	[dreg:$0x3] =	wrdreg s2  }
0xb0: {  	[dreg:$0x4] =	wrdreg $0x90000  }
0xb1: {  	[dreg:$0x5] =	wrdreg $0x9  }
0xb2: {  	_ =	task.clear_ibuf [dreg:s7], $0x6FFFF;
	_ =	strace $0x90000046  }
0xb3: {  	s29 =	simm.s32 $0x9;
	_ =	strace $0x80000048  }
0xb4: {  	_ =	swait.ge [sflag:s29], $0x1  }
0xb5: {  	[sflag:s29] =	ssyncadd.s32 $0xFFFFFFFF  }
0xb6: {  	_ =	strace $0x90000048  }
0xb7: {  	_ =	sfence  }
0xb8: {  	s30 =	sld [smem:$0x0];
	_ =	sdelay $0x2  }
0xb9: {  	s31 =	sshll.u32 s1, $0xD;
	s1 =	sshrl.u32 s1, $0x2  }
0xba: {  	s3 =	sand.u32 $0x4000, s31;
	s1 =	sadd.s32 s1, s30  }
0xbb: {  	s0 =	sor.u32 s3, s0;
	s1 =	sshll.u32 s1, $0x11  }
0xbc: {  	s0 =	sor.u32 s1, s0  }
0xbd: {  	s0 =	sadd.s32 $0x8F2B, s0  }
0xbe: {  	[sflag:s0] =	ssyncadd.remote.s32 $0x1  }
0xbf: {  	_ =	sfence.sel $0xFFFF  }
0xc0: {  	[dreg:$0x0] =	wrdreg $0xFFFFFFFF;
	(pc) =	sbr.abs _section_cstart, $3  }
0xc1: {  	[dreg:$0x1] =	wrdreg $0xFFFFFFFF  }
0xc2: {  	_ =	task.clear_ibuf [dreg:s7], $0x2FFFF;
	_ =	strace $0x9FFFFFFF  }
0xc3: {  	(tm) =	ssettm $0x7FFFFFFF  }
tec
execute0_lowered:
.L_overlay_start_1:
0x0: {  	(tag) =	ssettag $0x1  }
0x1: {  	s0 =	srdreg.scid;
	s6 =	rddreg [dreg:$0x0]  }
0x2: {  	s2 =	rddreg [dreg:$0x1];
	s7 =	sand.u32 $0x1, s0  }
0x3: {  	s0 =	stileid.u32;
	s5 =	smul.u32 $0x50000, s7  }
0x4: {  	s3 =	rddreg [dreg:$0x2];
	s8 =	smul.u32 $0x5000, s0  }
0x5: {  	s1 =	rddreg [dreg:$0x3];
	s4 =	simm.s32 $0x0;
	s9 =	smul.u32 $0xA0000, s7  }
0x6: {  	s13 =	simm.s32 $0x80;
	[smem:$0x7FF] =	sst s4;
	s10 =	smul.u32 $0xA000, s0  }
0x7: {  	s15 =	simm.s32 $0x0;
	_ =	strace $0x80000047;
	s28 =	smul.u32 $0x29000, s0  }
0x8: {  	s29 =	ssub.s32 $0x2, s7;
	s11 =	smul.u32 $0x28000, s0;
	s30 =	sshll.u32 s0, $0x6  }
0x9: {  	s7 =	sshrl.u32 s29, $0x1;
	s5 =	sadd.s32 s8, s5;
	s25 =	sadd.s32 s10, s9  }
0xa: {  	s10 =	sshrl.u32 s28, $0x2;
	s12 =	ssub.s32 s29, s7;
	s31 =	sshrl.u32 s11, $0x2  }
0xb: {  	s11 =	simm.s32 $0x1;
	s5 =	sshrl.u32 s5, $0x3;
	s8 =	sshrl.u32 s25, $0x3  }
0xc: {  	s10 =	sadd.s32 s10, s3;
	s14 =	sadd.s32 s31, s3;
	s9 =	smax.u32 s12, $0x1  }
0xd: {  	s12 =	simm.s32 $0x5000;
	s26 =	sadd.s32 s5, s6;
	s5 =	sadd.s32 $0x20000, s6  }
0xe: {  	s8 =	sadd.s32 s8, s6;
	s6 =	sor.u32 $0x1C01, s30;
	s10 =	sshrl.u32 s10, $0x3  }
0xf: {  	s14 =	sshrl.u32 s14, $0x3;
	s7 =	sadd.s32 $0xC000, s26;
	s8 =	sadd.s32 $0x21600, s8  }
.LBB2_1:
0x10: {  	[spmem:s10], [sflag:s6] =	dma.local [hbm:s5], $0x1480  }
0x11: {  	_ =	swait.ge [sflag:s11], $0x1480  }
0x12: {  	[sflag:s11] =	ssyncset.done $0x0  }
0x13: {  	[sflag:s11] =	ssyncadd.s32 $0xFFFFEB80  }
0x14: {  	[tilespmem:s12], [sflag:$0x1] =	stream.linear.gather [hbm4b:s2+s4], $0x4000, $0x38;
	[tilespmem:$0x13400] =	vst v63  }
0x15: {  	_ =	swait.ge [sflag:s11], $0x4000  }
0x16: {  	[sflag:s11] =	ssyncset.done $0x0  }
0x17: {  	[sflag:s11] =	ssyncadd.s32 $0xFFFFC000  }
0x18: {  	[tilespmem:s4], [sflag:$0x1] =	stream.linear.gather [hbm4b:s7+s4], $0x5000, $0x38;
	[tilespmem:$0x13400] =	vst v63  }
0x19: {  	_ =	swait.ge [sflag:s11], $0x5000  }
0x1a: {  	[sflag:s11] =	ssyncset.done $0x0  }
0x1b: {  	[sflag:s11] =	ssyncadd.s32 $0xFFFFB000  }
0x1c: {  	s16 =	simm.s32 $0x0;
	[bflag:$0x0] =	sbarrier.arrive $0xFFFF  }
0x1d: {  	[spmem:s3] =	stream.indirect.scatter.add.f32 [tilespmem:s12], [sflag:$0x1], $0x80, s16, s13, $0xb8;
	[tilespmem:$0x13400] =	vst v63  }
0x1e: {  	_ =	swait.ge [sflag:s11], $0x4000  }
0x1f: {  	s16 =	simm.s32 $0x200;
	[sflag:s11] =	ssyncset.done $0x0  }
.LBB2_2:
0x20: {  	s17 =	sshra.s32 s16, $0x2;
	[sflag:s11] =	ssyncadd.s32 $0xFFFFC000;
	p0 =	sne.s32 s16, $0x13E00  }
0x21: {  	[spmem:s3] =	stream.indirect.scatter.add.f32 [tilespmem:s12], [sflag:$0x1], $0x80, s17, s13, $0xb8;
	[tilespmem:$0x13400] =	vst v63  }
.Ltmp0:
0x22: {  	_ = 	snop;
	(pc) =	sbr.rel @p0 .LBB2_2-.Ltmp0, $4  }
0x23: {  	_ = 	snop  }
0x24: {  	s16 =	sadd.s32 $0x200, s16  }
0x25: {  	_ =	swait.ge [sflag:s11], $0x4000  }
0x26: {  	[sflag:s11] =	ssyncset.done $0x0  }
0x27: {  	s15 =	sadd.s32 $0x1, s15  }
0x28: {  	[sflag:s11] =	ssyncadd.s32 $0xFFFFC000;
	p0 =	sne.s32 s15, s9  }
.Ltmp1:
0x29: {  	[bflag:$0x0] =	sbarrier.arrive $0xFFFF;
	(pc) =	sbr.rel @p0 .LBB2_1-.Ltmp1, $4  }
0x2a: {  	[hbm:s8], [sflag:s6] =	dma.local [spmem:s14], $0x1400  }
0x2b: {  	_ =	swait.ge [sflag:s11], $0x1400  }
0x2c: {  	[sflag:s11] =	ssyncset.done $0x0  }
0x2d: {  	[sflag:s11] =	ssyncadd.s32 $0xFFFFEC00  }
0x2e: {  	_ =	sfence.sel $0x180000  }
0x2f: {  	[bflag:$0x0] =	sbarrier.arrive $0xFFFF  }
0x30: {  	p0 =	sne.s32 s0, $0x0;
	_ =	strace $0x90000047  }
0x31: {  	s0 =	sadd.s32 @!p0 $0x100000, s1;
	[bflag:$0x2] =	sbarrier.arrive $0xFFFF  }
0x32: {  	[sflag:s0] =	ssyncadd.tile.s32 @!p0 $0x1;
	_ =	shalt  }
.Lfunc_end2:
_tile_overlayer_lowered:
.L_overlay_start_2:
0x33: {  	(tag) =	ssettag $0x2  }
0x34: {  	s0 =	rddreg [dreg:$0x0];
	s2 =	stileid.u32  }
0x35: {  	s1 =	rddreg [dreg:$0x1];
	p0 =	sne.s32 s2, $0x0  }
0x36: {  	s3 =	rddreg [dreg:$0x2];
	[bflag:$0x3] =	sbarrier.arrive $0xFFFF;
	s2 =	simm.s32 @!p0 $0x1C01  }
0x37: {  	[timem:s3], [sflag:s2] =	dma.local @!p0 [hbm:s0], s1  }
0x38: {  	s0 =	simm.s32 @!p0 $0x1  }
0x39: {  	_ =	swait.ge @!p0 [sflag:s0], s1  }
0x3a: {  	s1 =	ssub.s32 @!p0 $0x0, s1;
	[sflag:s0] =	ssyncset.done @!p0 $0x0  }
0x3b: {  	[sflag:s0] =	ssyncadd.s32 @!p0 s1  }
0x3c: {  	[bflag:$0x3] =	sbarrier.arrive $0xFFFF  }
0x3d: {  	_ =	shalt  }

</sc_bundles>
